<compile_context>
chip_gen: v7x
topology: tpu7x:2x2x1
jax: 0.10.2.dev20260603
libtpu: 0.0.44.dev20260713+nightly
codegen_flags: <defaults>
</compile_context>

<pallas_src>
import functools

import jax
import jax.numpy as jnp
from jax import lax
from jax.experimental import pallas as pl
from jax.experimental.pallas import tpu as pltpu
from jax.experimental.pallas import tpu_sc as plsc

_CHUNK = 128
_NW = 32
_ROWB = 1024


def _round_up(v, m):
    return (v + m - 1) // m * m


def _make_edge_pass(n_pad, d, nch):
    slab = n_pad // 16
    nz = slab // _CHUNK
    mesh = plsc.VectorSubcoreMesh(core_axis_name="c", subcore_axis_name="s")

    @functools.partial(
        pl.kernel, mesh=mesh,
        out_type=jax.ShapeDtypeStruct((2, n_pad, d), jnp.float32),
        scratch_types=[
            pltpu.VMEM((_CHUNK,), jnp.int32),
            pltpu.VMEM((_CHUNK,), jnp.int32),
            pltpu.VMEM((_CHUNK, d), jnp.float32),
            pltpu.VMEM_SHARED((n_pad, d), jnp.float32),
            pltpu.SemaphoreType.DMA,
            pltpu.SemaphoreType.DMA,
        ])
    def edge_pass(table, src, dst, zeros, out, src_v, dst_v, rows_v, acc,
                  sem, sem2):
        c = lax.axis_index("c")
        s = lax.axis_index("s")
        wid = s * 2 + c
        pltpu.sync_copy(zeros, rows_v)
        for k in range(nz):
            pltpu.sync_copy(rows_v, acc.at[pl.ds(s * slab + k * _CHUNK,
                                                 _CHUNK)])
        plsc.subcore_barrier()
        base = wid * (nch * _CHUNK)
        pltpu.sync_copy(src.at[pl.ds(base, _CHUNK)], src_v)

        def body(i, carry):
            eb = base + i * _CHUNK
            cp = pltpu.async_copy(table.at[src_v], rows_v, sem)
            pltpu.sync_copy(dst.at[pl.ds(eb, _CHUNK)], dst_v)
            cp.wait()
            sc = pltpu.async_copy(rows_v, acc.at[dst_v], sem2, add=True)
            pltpu.sync_copy(src.at[pl.ds(eb + _CHUNK, _CHUNK)], src_v)
            sc.wait()
            return carry

        lax.fori_loop(0, nch, body, 0)
        plsc.subcore_barrier()
        for k in range(nz):
            rb = s * slab + k * _CHUNK
            pltpu.sync_copy(acc.at[pl.ds(rb, _CHUNK)], rows_v)
            pltpu.sync_copy(rows_v, out.at[c, pl.ds(rb, _CHUNK)])

    return edge_pass


def _make_deg_pass(n_pad, d, nch):
    slab = n_pad // 16
    nz = slab // _CHUNK
    mesh = plsc.VectorSubcoreMesh(core_axis_name="c", subcore_axis_name="s")

    @functools.partial(
        pl.kernel, mesh=mesh,
        out_type=jax.ShapeDtypeStruct((2, n_pad, d), jnp.float32),
        scratch_types=[
            pltpu.VMEM((_CHUNK,), jnp.int32),
            pltpu.VMEM((_CHUNK, d), jnp.float32),
            pltpu.VMEM_SHARED((n_pad, d), jnp.float32),
        ])
    def deg_pass(dst, zeros, ones, out, dst_v, ones_v, acc):
        c = lax.axis_index("c")
        s = lax.axis_index("s")
        wid = s * 2 + c
        pltpu.sync_copy(zeros, ones_v)
        for k in range(nz):
            pltpu.sync_copy(ones_v, acc.at[pl.ds(s * slab + k * _CHUNK,
                                                 _CHUNK)])
        pltpu.sync_copy(ones, ones_v)
        plsc.subcore_barrier()
        base = wid * (nch * _CHUNK)

        def body(i, carry):
            eb = base + i * _CHUNK
            pltpu.sync_copy(dst.at[pl.ds(eb, _CHUNK)], dst_v)
            pltpu.sync_copy(ones_v, acc.at[dst_v], add=True)
            return carry

        lax.fori_loop(0, nch, body, 0)
        plsc.subcore_barrier()
        for k in range(nz):
            rb = s * slab + k * _CHUNK
            pltpu.sync_copy(acc.at[pl.ds(rb, _CHUNK)], ones_v)
            pltpu.sync_copy(ones_v, out.at[c, pl.ds(rb, _CHUNK)])

    return deg_pass


def _pre_body(x_ref, wl_ref, out_ref):
    out_ref[...] = jnp.dot(x_ref[...], wl_ref[...],
                           preferred_element_type=jnp.float32)


def _mid_body(p_ref, dg_ref, x_ref, wr_ref, bl_ref, wl2_ref,
              h1_ref, y2_ref, degi_ref):
    agg = p_ref[0] + p_ref[1]
    deg = dg_ref[0, :, 0:1] + dg_ref[1, :, 0:1]
    degi = 1.0 / jnp.maximum(deg, 1.0)
    lin = jnp.dot(x_ref[...], wr_ref[...], preferred_element_type=jnp.float32)
    h1 = jnp.maximum(agg * degi + lin + bl_ref[...][None, :], 0.0)
    h1_ref[...] = h1
    y2_ref[...] = jnp.dot(h1, wl2_ref[...], preferred_element_type=jnp.float32)
    degi_ref[...] = degi[:, 0]


def _fin_body(p_ref, h1_ref, degi_ref, wr_ref, bl_ref, out_ref):
    ps = p_ref[0] + p_ref[1]
    lin = jnp.dot(h1_ref[...], wr_ref[...], preferred_element_type=jnp.float32)
    out_ref[...] = ps * degi_ref[...][:, None] + lin + bl_ref[...][None, :]


def kernel(n_id, edge_index, emb, Wl1, bl1, Wr1, Wl2, bl2, Wr2):
    n, d = emb.shape
    e = edge_index.shape[1]
    n_pad = _round_up(n, _ROWB)
    nch = -(-e // (_NW * _CHUNK))
    e_pad = nch * _NW * _CHUNK
    grid = (n_pad // _ROWB,)

    x_pad = jnp.pad(emb, ((0, n_pad - n), (0, 0)))
    src = jnp.pad(edge_index[0].astype(jnp.int32),
                  (0, e_pad - e + _CHUNK), constant_values=n)
    dst = jnp.pad(edge_index[1].astype(jnp.int32), (0, e_pad - e),
                  constant_values=n)
    zeros_blk = jnp.zeros((_CHUNK, d), jnp.float32)
    ones_blk = jnp.ones((_CHUNK, d), jnp.float32)

    row_spec = pl.BlockSpec((_ROWB, d), lambda i: (i, 0))
    par_spec = pl.BlockSpec((2, _ROWB, d), lambda i: (0, i, 0))
    full_w = pl.BlockSpec((d, d), lambda i: (0, 0))
    full_b = pl.BlockSpec((d,), lambda i: (0,))

    y1 = pl.pallas_call(
        _pre_body,
        grid=grid,
        in_specs=[row_spec, full_w],
        out_specs=row_spec,
        out_shape=jax.ShapeDtypeStruct((n_pad, d), jnp.float32),
    )(x_pad, Wl1)

    p1 = _make_edge_pass(n_pad, d, nch)(y1, src, dst, zeros_blk)
    deg_parts = _make_deg_pass(n_pad, d, nch)(dst, zeros_blk, ones_blk)

    h1, y2, degi = pl.pallas_call(
        _mid_body,
        grid=grid,
        in_specs=[par_spec, par_spec, row_spec, full_w, full_b, full_w],
        out_specs=[row_spec, row_spec, pl.BlockSpec((_ROWB,), lambda i: (i,))],
        out_shape=[jax.ShapeDtypeStruct((n_pad, d), jnp.float32),
                   jax.ShapeDtypeStruct((n_pad, d), jnp.float32),
                   jax.ShapeDtypeStruct((n_pad,), jnp.float32)],
    )(p1, deg_parts, x_pad, Wr1, bl1, Wl2)

    p2 = _make_edge_pass(n_pad, d, nch)(y2, src, dst, zeros_blk)

    out = pl.pallas_call(
        _fin_body,
        grid=grid,
        in_specs=[par_spec, row_spec, pl.BlockSpec((_ROWB,), lambda i: (i,)),
                  full_w, full_b],
        out_specs=row_spec,
        out_shape=jax.ShapeDtypeStruct((n_pad, d), jnp.float32),
    )(p2, h1, degi, Wr2, bl2)

    return out[:n]

# --- scband reference (transcript-rebuilt; emitter-appended) ---
"""Pipeline reference for scband-graph-sage-20693152432851 (READ-ONLY COPY).

The authoritative reference and input builder live on the scoring server;
editing this copy changes nothing except your own understanding.
"""

import jax, jax.numpy as jnp
import numpy as np

NUM_NODES = 10000
EMB_DIM = 128
HIDDEN_DIM = 128
N_EDGES = 320000


def setup_inputs(seed: int = 0) -> dict:
    key = jax.random.key(seed)
    ks = jax.random.split(key, 10)
    n_id = jnp.arange(NUM_NODES, dtype=jnp.int64) if jax.config.jax_enable_x64 else jnp.arange(NUM_NODES, dtype=jnp.int32)
    edge_index = jax.random.randint(ks[0], (2, N_EDGES), 0, NUM_NODES)
    # learned parameters
    emb = jax.random.normal(ks[1], (NUM_NODES, EMB_DIM), dtype=jnp.float32) * (1.0 / np.sqrt(EMB_DIM))
    Wl1 = jax.random.normal(ks[2], (EMB_DIM, HIDDEN_DIM), dtype=jnp.float32) * (1.0 / np.sqrt(EMB_DIM))
    bl1 = jnp.zeros((HIDDEN_DIM,), dtype=jnp.float32)
    Wr1 = jax.random.normal(ks[3], (EMB_DIM, HIDDEN_DIM), dtype=jnp.float32) * (1.0 / np.sqrt(EMB_DIM))
    Wl2 = jax.random.normal(ks[4], (HIDDEN_DIM, HIDDEN_DIM), dtype=jnp.float32) * (1.0 / np.sqrt(HIDDEN_DIM))
    bl2 = jnp.zeros((HIDDEN_DIM,), dtype=jnp.float32)
    Wr2 = jax.random.normal(ks[5], (HIDDEN_DIM, HIDDEN_DIM), dtype=jnp.float32) * (1.0 / np.sqrt(HIDDEN_DIM))
    return {"n_id": n_id, "edge_index": edge_index, "emb": emb,
            "Wl1": Wl1, "bl1": bl1, "Wr1": Wr1,
            "Wl2": Wl2, "bl2": bl2, "Wr2": Wr2}


def _sage_conv(x, edge_index, Wl, bl, Wr):
    # PyG-style SAGEConv with mean aggregation:
    # out = lin_l(mean_{j in N(i)} x_j) + lin_r(x_i)
    src = edge_index[0]
    dst = edge_index[1]
    msgs = jnp.take(x, src, axis=0)                     # gather
    agg = jax.ops.segment_sum(msgs, dst, num_segments=x.shape[0])   # scatter-add
    deg = jax.ops.segment_sum(jnp.ones((src.shape[0],), dtype=x.dtype), dst,
                              num_segments=x.shape[0])
    agg = agg / jnp.maximum(deg, 1.0)[:, None]
    return agg @ Wl + bl + x @ Wr


def reference(n_id, edge_index, emb, Wl1, bl1, Wr1, Wl2, bl2, Wr2):
    # GraphSAGE.encode (eval mode: dropout is a no-op)
    x = jnp.take(emb, n_id, axis=0)   # embedding lookup
    x = _sage_conv(x, edge_index, Wl1, bl1, Wr1)
    x = jax.nn.relu(x)
    x = _sage_conv(x, edge_index, Wl2, bl2, Wr2)
    return x

if __name__ == "__main__":
    import jax
    _d = setup_inputs()
    print(jax.jit(kernel)(*tuple(_d.values())))

</pallas_src>

<mosaic_0001>
#map = affine_map<(d0, d1) -> (0, 0)>
#map1 = affine_map<(d0, d1) -> (0)>
#map2 = affine_map<(d0, d1) -> (0, 0, 0)>
module attributes {stable_mosaic.version = 14 : i64} {
  func.func @edge_pass(%arg0: i32, %arg1: i32, %arg2: memref<10240x128xf32, #tpu.memory_space<hbm>>, %arg3: memref<323712xi32, #tpu.memory_space<hbm>>, %arg4: memref<323584xi32, #tpu.memory_space<hbm>>, %arg5: memref<128x128xf32, #tpu.memory_space<hbm>>, %arg6: memref<2x10240x128xf32, #tpu.memory_space<hbm>>, %arg7: memref<128xi32, #tpu.memory_space<vmem>>, %arg8: memref<128xi32, #tpu.memory_space<vmem>>, %arg9: memref<128x128xf32, #tpu.memory_space<vmem>>, %arg10: memref<10240x128xf32, #tpu.memory_space<vmem_shared>>, %arg11: memref<!tpu.dma_semaphore, #tpu.memory_space<semaphore_mem>>, %arg12: memref<!tpu.dma_semaphore, #tpu.memory_space<semaphore_mem>>) attributes {dimension_semantics = [#tpu.dimension_semantics<core_parallel>, #tpu.dimension_semantics<subcore_parallel>], iteration_bounds = array<i64: 2, 16>, scalar_prefetch = 0 : i64, scratch_operands = 6 : i64, tpu.core_type = #tpu.core_type<sc_vector_subcore>, window_params = [{transform_indices = #map}, {transform_indices = #map1}, {transform_indices = #map1}, {transform_indices = #map}, {transform_indices = #map2}]} {
    %mul3A = arith.constant 2 : i32
    %mul3A_0 = arith.muli %arg1, %mul3A : i32
    %add3A = arith.addi %mul3A_0, %arg0 : i32
    "tpu.region"() ({
      %run_scoped3A = tpu.sem_alloc : memref<!tpu.dma_semaphore, #tpu.memory_space<semaphore_mem>>
      tpu.enqueue_dma source(%arg5 : memref<128x128xf32, #tpu.memory_space<hbm>>) target(%arg9 : memref<128x128xf32, #tpu.memory_space<vmem>>) target_semaphore(%run_scoped3A : memref<!tpu.dma_semaphore, #tpu.memory_space<semaphore_mem>>)
      tpu.wait_dma2 semaphore(%run_scoped3A : memref<!tpu.dma_semaphore, #tpu.memory_space<semaphore_mem>>) src(%arg5 : memref<128x128xf32, #tpu.memory_space<hbm>>) dst(%arg9 : memref<128x128xf32, #tpu.memory_space<vmem>>)
      tpu.yield
    }) : () -> ()
    %mul3A_1 = arith.constant 640 : i32
    %mul3A_2 = arith.muli %arg1, %mul3A_1 : i32
    %add3A_3 = arith.constant 0 : i32
    %add3A_4 = arith.addi %mul3A_2, %add3A_3 : i32
    "tpu.region"() ({
      %run_scoped3A = tpu.sem_alloc : memref<!tpu.dma_semaphore, #tpu.memory_space<semaphore_mem>>
      %dma_start3A = arith.constant 0 : i32
      %dma_start3A_49 = tpu.memref_slice %arg10[%add3A_4, %dma_start3A] : memref<10240x128xf32, #tpu.memory_space<vmem_shared>> -> memref<128x128xf32, #tpu.memory_space<vmem_shared>>
      %dma_start3A_50 = arith.constant 0 : i32
      %dma_start3A_51 = tpu.memref_slice %arg10[%add3A_4, %dma_start3A_50] : memref<10240x128xf32, #tpu.memory_space<vmem_shared>> -> memref<128x128xf32, #tpu.memory_space<vmem_shared>>
      tpu.enqueue_dma source(%arg9 : memref<128x128xf32, #tpu.memory_space<vmem>>) target(%dma_start3A_51 : memref<128x128xf32, #tpu.memory_space<vmem_shared>>) target_semaphore(%run_scoped3A : memref<!tpu.dma_semaphore, #tpu.memory_space<semaphore_mem>>)
      %dma_wait3A = arith.constant 0 : i32
      %dma_wait3A_52 = tpu.memref_slice %arg10[%add3A_4, %dma_wait3A] : memref<10240x128xf32, #tpu.memory_space<vmem_shared>> -> memref<128x128xf32, #tpu.memory_space<vmem_shared>>
      %dma_wait3A_53 = arith.constant 0 : i32
      %dma_wait3A_54 = tpu.memref_slice %arg10[%add3A_4, %dma_wait3A_53] : memref<10240x128xf32, #tpu.memory_space<vmem_shared>> -> memref<128x128xf32, #tpu.memory_space<vmem_shared>>
      tpu.wait_dma2 semaphore(%run_scoped3A : memref<!tpu.dma_semaphore, #tpu.memory_space<semaphore_mem>>) src(%arg9 : memref<128x128xf32, #tpu.memory_space<vmem>>) dst(%dma_wait3A_54 : memref<128x128xf32, #tpu.memory_space<vmem_shared>>)
      tpu.yield
    }) : () -> ()
    %mul3A_5 = arith.constant 640 : i32
    %mul3A_6 = arith.muli %arg1, %mul3A_5 : i32
    %add3A_7 = arith.constant 128 : i32
    %add3A_8 = arith.addi %mul3A_6, %add3A_7 : i32
    "tpu.region"() ({
      %run_scoped3A = tpu.sem_alloc : memref<!tpu.dma_semaphore, #tpu.memory_space<semaphore_mem>>
      %dma_start3A = arith.constant 0 : i32
      %dma_start3A_49 = tpu.memref_slice %arg10[%add3A_8, %dma_start3A] : memref<10240x128xf32, #tpu.memory_space<vmem_shared>> -> memref<128x128xf32, #tpu.memory_space<vmem_shared>>
      %dma_start3A_50 = arith.constant 0 : i32
      %dma_start3A_51 = tpu.memref_slice %arg10[%add3A_8, %dma_start3A_50] : memref<10240x128xf32, #tpu.memory_space<vmem_shared>> -> memref<128x128xf32, #tpu.memory_space<vmem_shared>>
      tpu.enqueue_dma source(%arg9 : memref<128x128xf32, #tpu.memory_space<vmem>>) target(%dma_start3A_51 : memref<128x128xf32, #tpu.memory_space<vmem_shared>>) target_semaphore(%run_scoped3A : memref<!tpu.dma_semaphore, #tpu.memory_space<semaphore_mem>>)
      %dma_wait3A = arith.constant 0 : i32
      %dma_wait3A_52 = tpu.memref_slice %arg10[%add3A_8, %dma_wait3A] : memref<10240x128xf32, #tpu.memory_space<vmem_shared>> -> memref<128x128xf32, #tpu.memory_space<vmem_shared>>
      %dma_wait3A_53 = arith.constant 0 : i32
      %dma_wait3A_54 = tpu.memref_slice %arg10[%add3A_8, %dma_wait3A_53] : memref<10240x128xf32, #tpu.memory_space<vmem_shared>> -> memref<128x128xf32, #tpu.memory_space<vmem_shared>>
      tpu.wait_dma2 semaphore(%run_scoped3A : memref<!tpu.dma_semaphore, #tpu.memory_space<semaphore_mem>>) src(%arg9 : memref<128x128xf32, #tpu.memory_space<vmem>>) dst(%dma_wait3A_54 : memref<128x128xf32, #tpu.memory_space<vmem_shared>>)
      tpu.yield
    }) : () -> ()
    %mul3A_9 = arith.constant 640 : i32
    %mul3A_10 = arith.muli %arg1, %mul3A_9 : i32
    %add3A_11 = arith.constant 256 : i32
    %add3A_12 = arith.addi %mul3A_10, %add3A_11 : i32
    "tpu.region"() ({
      %run_scoped3A = tpu.sem_alloc : memref<!tpu.dma_semaphore, #tpu.memory_space<semaphore_mem>>
      %dma_start3A = arith.constant 0 : i32
      %dma_start3A_49 = tpu.memref_slice %arg10[%add3A_12, %dma_start3A] : memref<10240x128xf32, #tpu.memory_space<vmem_shared>> -> memref<128x128xf32, #tpu.memory_space<vmem_shared>>
      %dma_start3A_50 = arith.constant 0 : i32
      %dma_start3A_51 = tpu.memref_slice %arg10[%add3A_12, %dma_start3A_50] : memref<10240x128xf32, #tpu.memory_space<vmem_shared>> -> memref<128x128xf32, #tpu.memory_space<vmem_shared>>
      tpu.enqueue_dma source(%arg9 : memref<128x128xf32, #tpu.memory_space<vmem>>) target(%dma_start3A_51 : memref<128x128xf32, #tpu.memory_space<vmem_shared>>) target_semaphore(%run_scoped3A : memref<!tpu.dma_semaphore, #tpu.memory_space<semaphore_mem>>)
      %dma_wait3A = arith.constant 0 : i32
      %dma_wait3A_52 = tpu.memref_slice %arg10[%add3A_12, %dma_wait3A] : memref<10240x128xf32, #tpu.memory_space<vmem_shared>> -> memref<128x128xf32, #tpu.memory_space<vmem_shared>>
      %dma_wait3A_53 = arith.constant 0 : i32
      %dma_wait3A_54 = tpu.memref_slice %arg10[%add3A_12, %dma_wait3A_53] : memref<10240x128xf32, #tpu.memory_space<vmem_shared>> -> memref<128x128xf32, #tpu.memory_space<vmem_shared>>
      tpu.wait_dma2 semaphore(%run_scoped3A : memref<!tpu.dma_semaphore, #tpu.memory_space<semaphore_mem>>) src(%arg9 : memref<128x128xf32, #tpu.memory_space<vmem>>) dst(%dma_wait3A_54 : memref<128x128xf32, #tpu.memory_space<vmem_shared>>)
      tpu.yield
    }) : () -> ()
    %mul3A_13 = arith.constant 640 : i32
    %mul3A_14 = arith.muli %arg1, %mul3A_13 : i32
    %add3A_15 = arith.constant 384 : i32
    %add3A_16 = arith.addi %mul3A_14, %add3A_15 : i32
    "tpu.region"() ({
      %run_scoped3A = tpu.sem_alloc : memref<!tpu.dma_semaphore, #tpu.memory_space<semaphore_mem>>
      %dma_start3A = arith.constant 0 : i32
      %dma_start3A_49 = tpu.memref_slice %arg10[%add3A_16, %dma_start3A] : memref<10240x128xf32, #tpu.memory_space<vmem_shared>> -> memref<128x128xf32, #tpu.memory_space<vmem_shared>>
      %dma_start3A_50 = arith.constant 0 : i32
      %dma_start3A_51 = tpu.memref_slice %arg10[%add3A_16, %dma_start3A_50] : memref<10240x128xf32, #tpu.memory_space<vmem_shared>> -> memref<128x128xf32, #tpu.memory_space<vmem_shared>>
      tpu.enqueue_dma source(%arg9 : memref<128x128xf32, #tpu.memory_space<vmem>>) target(%dma_start3A_51 : memref<128x128xf32, #tpu.memory_space<vmem_shared>>) target_semaphore(%run_scoped3A : memref<!tpu.dma_semaphore, #tpu.memory_space<semaphore_mem>>)
      %dma_wait3A = arith.constant 0 : i32
      %dma_wait3A_52 = tpu.memref_slice %arg10[%add3A_16, %dma_wait3A] : memref<10240x128xf32, #tpu.memory_space<vmem_shared>> -> memref<128x128xf32, #tpu.memory_space<vmem_shared>>
      %dma_wait3A_53 = arith.constant 0 : i32
      %dma_wait3A_54 = tpu.memref_slice %arg10[%add3A_16, %dma_wait3A_53] : memref<10240x128xf32, #tpu.memory_space<vmem_shared>> -> memref<128x128xf32, #tpu.memory_space<vmem_shared>>
      tpu.wait_dma2 semaphore(%run_scoped3A : memref<!tpu.dma_semaphore, #tpu.memory_space<semaphore_mem>>) src(%arg9 : memref<128x128xf32, #tpu.memory_space<vmem>>) dst(%dma_wait3A_54 : memref<128x128xf32, #tpu.memory_space<vmem_shared>>)
      tpu.yield
    }) : () -> ()
    %mul3A_17 = arith.constant 640 : i32
    %mul3A_18 = arith.muli %arg1, %mul3A_17 : i32
    %add3A_19 = arith.constant 512 : i32
    %add3A_20 = arith.addi %mul3A_18, %add3A_19 : i32
    "tpu.region"() ({
      %run_scoped3A = tpu.sem_alloc : memref<!tpu.dma_semaphore, #tpu.memory_space<semaphore_mem>>
      %dma_start3A = arith.constant 0 : i32
      %dma_start3A_49 = tpu.memref_slice %arg10[%add3A_20, %dma_start3A] : memref<10240x128xf32, #tpu.memory_space<vmem_shared>> -> memref<128x128xf32, #tpu.memory_space<vmem_shared>>
      %dma_start3A_50 = arith.constant 0 : i32
      %dma_start3A_51 = tpu.memref_slice %arg10[%add3A_20, %dma_start3A_50] : memref<10240x128xf32, #tpu.memory_space<vmem_shared>> -> memref<128x128xf32, #tpu.memory_space<vmem_shared>>
      tpu.enqueue_dma source(%arg9 : memref<128x128xf32, #tpu.memory_space<vmem>>) target(%dma_start3A_51 : memref<128x128xf32, #tpu.memory_space<vmem_shared>>) target_semaphore(%run_scoped3A : memref<!tpu.dma_semaphore, #tpu.memory_space<semaphore_mem>>)
      %dma_wait3A = arith.constant 0 : i32
      %dma_wait3A_52 = tpu.memref_slice %arg10[%add3A_20, %dma_wait3A] : memref<10240x128xf32, #tpu.memory_space<vmem_shared>> -> memref<128x128xf32, #tpu.memory_space<vmem_shared>>
      %dma_wait3A_53 = arith.constant 0 : i32
      %dma_wait3A_54 = tpu.memref_slice %arg10[%add3A_20, %dma_wait3A_53] : memref<10240x128xf32, #tpu.memory_space<vmem_shared>> -> memref<128x128xf32, #tpu.memory_space<vmem_shared>>
      tpu.wait_dma2 semaphore(%run_scoped3A : memref<!tpu.dma_semaphore, #tpu.memory_space<semaphore_mem>>) src(%arg9 : memref<128x128xf32, #tpu.memory_space<vmem>>) dst(%dma_wait3A_54 : memref<128x128xf32, #tpu.memory_space<vmem_shared>>)
      tpu.yield
    }) : () -> ()
    %barrier3A = arith.constant 0 : index
    tpu.barrier barrier_id(%barrier3A)
    %mul3A_21 = arith.constant 10112 : i32
    %mul3A_22 = arith.muli %add3A, %mul3A_21 : i32
    "tpu.region"() ({
      %run_scoped3A = tpu.sem_alloc : memref<!tpu.dma_semaphore, #tpu.memory_space<semaphore_mem>>
      %dma_start3A = tpu.memref_slice %arg3[%mul3A_22] : memref<323712xi32, #tpu.memory_space<hbm>> -> memref<128xi32, #tpu.memory_space<hbm>>
      %dma_start3A_49 = tpu.memref_slice %arg3[%mul3A_22] : memref<323712xi32, #tpu.memory_space<hbm>> -> memref<128xi32, #tpu.memory_space<hbm>>
      tpu.enqueue_dma source(%dma_start3A_49 : memref<128xi32, #tpu.memory_space<hbm>>) target(%arg7 : memref<128xi32, #tpu.memory_space<vmem>>) target_semaphore(%run_scoped3A : memref<!tpu.dma_semaphore, #tpu.memory_space<semaphore_mem>>)
      %dma_wait3A = tpu.memref_slice %arg3[%mul3A_22] : memref<323712xi32, #tpu.memory_space<hbm>> -> memref<128xi32, #tpu.memory_space<hbm>>
      %dma_wait3A_50 = tpu.memref_slice %arg3[%mul3A_22] : memref<323712xi32, #tpu.memory_space<hbm>> -> memref<128xi32, #tpu.memory_space<hbm>>
      tpu.wait_dma2 semaphore(%run_scoped3A : memref<!tpu.dma_semaphore, #tpu.memory_space<semaphore_mem>>) src(%dma_wait3A_50 : memref<128xi32, #tpu.memory_space<hbm>>) dst(%arg7 : memref<128xi32, #tpu.memory_space<vmem>>)
      tpu.yield
    }) : () -> ()
    %scan3A = arith.constant 0 : i32
    %scan3A_23 = arith.constant 0 : i32
    %scan3A_24 = arith.constant 79 : i32
    %scan3A_25 = arith.addi %scan3A_23, %scan3A_24 : i32
    %scan3A_26 = arith.constant 1 : i32
    scf.for %scan3A_49 = %scan3A_23 to %scan3A_25 step %scan3A_26  : i32 {
      %mul3A_50 = arith.constant 128 : i32
      %mul3A_51 = arith.muli %scan3A_49, %mul3A_50 : i32
      %add3A_52 = arith.addi %mul3A_22, %mul3A_51 : i32
      %dma_start3A = arith.constant 0 : i32
      %dma_start3A_53 = arith.constant 0 : i32
      %dma_start3A_54 = tpu.memref_slice %arg2[%dma_start3A, %dma_start3A_53] : memref<10240x128xf32, #tpu.memory_space<hbm>> -> memref<10240x128xf32, #tpu.memory_space<hbm>>
      tpu.enqueue_indirect_dma source(%dma_start3A_54 : memref<10240x128xf32, #tpu.memory_space<hbm>>) target(%arg9 : memref<128x128xf32, #tpu.memory_space<vmem>>) offsets(%arg7 : memref<128xi32, #tpu.memory_space<vmem>>) semaphore(%arg11 : memref<!tpu.dma_semaphore, #tpu.memory_space<semaphore_mem>>)
      "tpu.region"() ({
        %run_scoped3A = tpu.sem_alloc : memref<!tpu.dma_semaphore, #tpu.memory_space<semaphore_mem>>
        %dma_start3A_65 = tpu.memref_slice %arg4[%add3A_52] : memref<323584xi32, #tpu.memory_space<hbm>> -> memref<128xi32, #tpu.memory_space<hbm>>
        %dma_start3A_66 = tpu.memref_slice %arg4[%add3A_52] : memref<323584xi32, #tpu.memory_space<hbm>> -> memref<128xi32, #tpu.memory_space<hbm>>
        tpu.enqueue_dma source(%dma_start3A_66 : memref<128xi32, #tpu.memory_space<hbm>>) target(%arg8 : memref<128xi32, #tpu.memory_space<vmem>>) target_semaphore(%run_scoped3A : memref<!tpu.dma_semaphore, #tpu.memory_space<semaphore_mem>>)
        %dma_wait3A_67 = tpu.memref_slice %arg4[%add3A_52] : memref<323584xi32, #tpu.memory_space<hbm>> -> memref<128xi32, #tpu.memory_space<hbm>>
        %dma_wait3A_68 = tpu.memref_slice %arg4[%add3A_52] : memref<323584xi32, #tpu.memory_space<hbm>> -> memref<128xi32, #tpu.memory_space<hbm>>
        tpu.wait_dma2 semaphore(%run_scoped3A : memref<!tpu.dma_semaphore, #tpu.memory_space<semaphore_mem>>) src(%dma_wait3A_68 : memref<128xi32, #tpu.memory_space<hbm>>) dst(%arg8 : memref<128xi32, #tpu.memory_space<vmem>>)
        tpu.yield
      }) : () -> ()
      %dma_wait3A = arith.constant 0 : i32
      %dma_wait3A_55 = arith.constant 0 : i32
      %dma_wait3A_56 = tpu.memref_slice %arg2[%dma_wait3A, %dma_wait3A_55] : memref<10240x128xf32, #tpu.memory_space<hbm>> -> memref<10240x128xf32, #tpu.memory_space<hbm>>
      tpu.wait_indirect_dma semaphore(%arg11 : memref<!tpu.dma_semaphore, #tpu.memory_space<semaphore_mem>>) src(%dma_wait3A_56 : memref<10240x128xf32, #tpu.memory_space<hbm>>) dst(%arg9 : memref<128x128xf32, #tpu.memory_space<vmem>>)
      %dma_start3A_57 = arith.constant 0 : i32
      %dma_start3A_58 = arith.constant 0 : i32
      %dma_start3A_59 = tpu.memref_slice %arg10[%dma_start3A_57, %dma_start3A_58] : memref<10240x128xf32, #tpu.memory_space<vmem_shared>> -> memref<10240x128xf32, #tpu.memory_space<vmem_shared>>
      tpu.enqueue_indirect_dma source(%arg9 : memref<128x128xf32, #tpu.memory_space<vmem>>) target(%dma_start3A_59 : memref<10240x128xf32, #tpu.memory_space<vmem_shared>>) offsets(%arg8 : memref<128xi32, #tpu.memory_space<vmem>>) semaphore(%arg12 : memref<!tpu.dma_semaphore, #tpu.memory_space<semaphore_mem>>) {add = true}
      %add3A_60 = arith.constant 128 : i32
      %add3A_61 = arith.addi %add3A_52, %add3A_60 : i32
      "tpu.region"() ({
        %run_scoped3A = tpu.sem_alloc : memref<!tpu.dma_semaphore, #tpu.memory_space<semaphore_mem>>
        %dma_start3A_65 = tpu.memref_slice %arg3[%add3A_61] : memref<323712xi32, #tpu.memory_space<hbm>> -> memref<128xi32, #tpu.memory_space<hbm>>
        %dma_start3A_66 = tpu.memref_slice %arg3[%add3A_61] : memref<323712xi32, #tpu.memory_space<hbm>> -> memref<128xi32, #tpu.memory_space<hbm>>
        tpu.enqueue_dma source(%dma_start3A_66 : memref<128xi32, #tpu.memory_space<hbm>>) target(%arg7 : memref<128xi32, #tpu.memory_space<vmem>>) target_semaphore(%run_scoped3A : memref<!tpu.dma_semaphore, #tpu.memory_space<semaphore_mem>>)
        %dma_wait3A_67 = tpu.memref_slice %arg3[%add3A_61] : memref<323712xi32, #tpu.memory_space<hbm>> -> memref<128xi32, #tpu.memory_space<hbm>>
        %dma_wait3A_68 = tpu.memref_slice %arg3[%add3A_61] : memref<323712xi32, #tpu.memory_space<hbm>> -> memref<128xi32, #tpu.memory_space<hbm>>
        tpu.wait_dma2 semaphore(%run_scoped3A : memref<!tpu.dma_semaphore, #tpu.memory_space<semaphore_mem>>) src(%dma_wait3A_68 : memref<128xi32, #tpu.memory_space<hbm>>) dst(%arg7 : memref<128xi32, #tpu.memory_space<vmem>>)
        tpu.yield
      }) : () -> ()
      %dma_wait3A_62 = arith.constant 0 : i32
      %dma_wait3A_63 = arith.constant 0 : i32
      %dma_wait3A_64 = tpu.memref_slice %arg10[%dma_wait3A_62, %dma_wait3A_63] : memref<10240x128xf32, #tpu.memory_space<vmem_shared>> -> memref<10240x128xf32, #tpu.memory_space<vmem_shared>>
      tpu.wait_indirect_dma semaphore(%arg12 : memref<!tpu.dma_semaphore, #tpu.memory_space<semaphore_mem>>) src(%arg9 : memref<128x128xf32, #tpu.memory_space<vmem>>) dst(%dma_wait3A_64 : memref<10240x128xf32, #tpu.memory_space<vmem_shared>>)
    }
    %scan3A_27 = arith.constant 79 : i32
    %barrier3A_28 = arith.constant 0 : index
    tpu.barrier barrier_id(%barrier3A_28)
    %mul3A_29 = arith.constant 640 : i32
    %mul3A_30 = arith.muli %arg1, %mul3A_29 : i32
    %add3A_31 = arith.constant 0 : i32
    %add3A_32 = arith.addi %mul3A_30, %add3A_31 : i32
    "tpu.region"() ({
      %run_scoped3A = tpu.sem_alloc : memref<!tpu.dma_semaphore, #tpu.memory_space<semaphore_mem>>
      %dma_start3A = arith.constant 0 : i32
      %dma_start3A_49 = tpu.memref_slice %arg10[%add3A_32, %dma_start3A] : memref<10240x128xf32, #tpu.memory_space<vmem_shared>> -> memref<128x128xf32, #tpu.memory_space<vmem_shared>>
      %dma_start3A_50 = arith.constant 0 : i32
      %dma_start3A_51 = tpu.memref_slice %arg10[%add3A_32, %dma_start3A_50] : memref<10240x128xf32, #tpu.memory_space<vmem_shared>> -> memref<128x128xf32, #tpu.memory_space<vmem_shared>>
      tpu.enqueue_dma source(%dma_start3A_51 : memref<128x128xf32, #tpu.memory_space<vmem_shared>>) target(%arg9 : memref<128x128xf32, #tpu.memory_space<vmem>>) target_semaphore(%run_scoped3A : memref<!tpu.dma_semaphore, #tpu.memory_space<semaphore_mem>>)
      %dma_wait3A = arith.constant 0 : i32
      %dma_wait3A_52 = tpu.memref_slice %arg10[%add3A_32, %dma_wait3A] : memref<10240x128xf32, #tpu.memory_space<vmem_shared>> -> memref<128x128xf32, #tpu.memory_space<vmem_shared>>
      %dma_wait3A_53 = arith.constant 0 : i32
      %dma_wait3A_54 = tpu.memref_slice %arg10[%add3A_32, %dma_wait3A_53] : memref<10240x128xf32, #tpu.memory_space<vmem_shared>> -> memref<128x128xf32, #tpu.memory_space<vmem_shared>>
      tpu.wait_dma2 semaphore(%run_scoped3A : memref<!tpu.dma_semaphore, #tpu.memory_space<semaphore_mem>>) src(%dma_wait3A_54 : memref<128x128xf32, #tpu.memory_space<vmem_shared>>) dst(%arg9 : memref<128x128xf32, #tpu.memory_space<vmem>>)
      tpu.yield
    }) : () -> ()
    "tpu.region"() ({
      %run_scoped3A = tpu.sem_alloc : memref<!tpu.dma_semaphore, #tpu.memory_space<semaphore_mem>>
      %dma_start3A = arith.constant 0 : i32
      %dma_start3A_49 = tpu.memref_slice %arg6[%arg0, %add3A_32, %dma_start3A] : memref<2x10240x128xf32, #tpu.memory_space<hbm>> -> memref<1x128x128xf32, #tpu.memory_space<hbm>>
      %dma_start3A_50 = tpu.memref_squeeze %dma_start3A_49 : memref<1x128x128xf32, #tpu.memory_space<hbm>> -> memref<128x128xf32, #tpu.memory_space<hbm>>
      %dma_start3A_51 = arith.constant 0 : i32
      %dma_start3A_52 = tpu.memref_slice %arg6[%arg0, %add3A_32, %dma_start3A_51] : memref<2x10240x128xf32, #tpu.memory_space<hbm>> -> memref<1x128x128xf32, #tpu.memory_space<hbm>>
      %dma_start3A_53 = tpu.memref_squeeze %dma_start3A_52 : memref<1x128x128xf32, #tpu.memory_space<hbm>> -> memref<128x128xf32, #tpu.memory_space<hbm>>
      tpu.enqueue_dma source(%arg9 : memref<128x128xf32, #tpu.memory_space<vmem>>) target(%dma_start3A_53 : memref<128x128xf32, #tpu.memory_space<hbm>>) target_semaphore(%run_scoped3A : memref<!tpu.dma_semaphore, #tpu.memory_space<semaphore_mem>>)
      %dma_wait3A = arith.constant 0 : i32
      %dma_wait3A_54 = tpu.memref_slice %arg6[%arg0, %add3A_32, %dma_wait3A] : memref<2x10240x128xf32, #tpu.memory_space<hbm>> -> memref<1x128x128xf32, #tpu.memory_space<hbm>>
      %dma_wait3A_55 = tpu.memref_squeeze %dma_wait3A_54 : memref<1x128x128xf32, #tpu.memory_space<hbm>> -> memref<128x128xf32, #tpu.memory_space<hbm>>
      %dma_wait3A_56 = arith.constant 0 : i32
      %dma_wait3A_57 = tpu.memref_slice %arg6[%arg0, %add3A_32, %dma_wait3A_56] : memref<2x10240x128xf32, #tpu.memory_space<hbm>> -> memref<1x128x128xf32, #tpu.memory_space<hbm>>
      %dma_wait3A_58 = tpu.memref_squeeze %dma_wait3A_57 : memref<1x128x128xf32, #tpu.memory_space<hbm>> -> memref<128x128xf32, #tpu.memory_space<hbm>>
      tpu.wait_dma2 semaphore(%run_scoped3A : memref<!tpu.dma_semaphore, #tpu.memory_space<semaphore_mem>>) src(%arg9 : memref<128x128xf32, #tpu.memory_space<vmem>>) dst(%dma_wait3A_58 : memref<128x128xf32, #tpu.memory_space<hbm>>)
      tpu.yield
    }) : () -> ()
    %mul3A_33 = arith.constant 640 : i32
    %mul3A_34 = arith.muli %arg1, %mul3A_33 : i32
    %add3A_35 = arith.constant 128 : i32
    %add3A_36 = arith.addi %mul3A_34, %add3A_35 : i32
    "tpu.region"() ({
      %run_scoped3A = tpu.sem_alloc : memref<!tpu.dma_semaphore, #tpu.memory_space<semaphore_mem>>
      %dma_start3A = arith.constant 0 : i32
      %dma_start3A_49 = tpu.memref_slice %arg10[%add3A_36, %dma_start3A] : memref<10240x128xf32, #tpu.memory_space<vmem_shared>> -> memref<128x128xf32, #tpu.memory_space<vmem_shared>>
      %dma_start3A_50 = arith.constant 0 : i32
      %dma_start3A_51 = tpu.memref_slice %arg10[%add3A_36, %dma_start3A_50] : memref<10240x128xf32, #tpu.memory_space<vmem_shared>> -> memref<128x128xf32, #tpu.memory_space<vmem_shared>>
      tpu.enqueue_dma source(%dma_start3A_51 : memref<128x128xf32, #tpu.memory_space<vmem_shared>>) target(%arg9 : memref<128x128xf32, #tpu.memory_space<vmem>>) target_semaphore(%run_scoped3A : memref<!tpu.dma_semaphore, #tpu.memory_space<semaphore_mem>>)
      %dma_wait3A = arith.constant 0 : i32
      %dma_wait3A_52 = tpu.memref_slice %arg10[%add3A_36, %dma_wait3A] : memref<10240x128xf32, #tpu.memory_space<vmem_shared>> -> memref<128x128xf32, #tpu.memory_space<vmem_shared>>
      %dma_wait3A_53 = arith.constant 0 : i32
      %dma_wait3A_54 = tpu.memref_slice %arg10[%add3A_36, %dma_wait3A_53] : memref<10240x128xf32, #tpu.memory_space<vmem_shared>> -> memref<128x128xf32, #tpu.memory_space<vmem_shared>>
      tpu.wait_dma2 semaphore(%run_scoped3A : memref<!tpu.dma_semaphore, #tpu.memory_space<semaphore_mem>>) src(%dma_wait3A_54 : memref<128x128xf32, #tpu.memory_space<vmem_shared>>) dst(%arg9 : memref<128x128xf32, #tpu.memory_space<vmem>>)
      tpu.yield
    }) : () -> ()
    "tpu.region"() ({
      %run_scoped3A = tpu.sem_alloc : memref<!tpu.dma_semaphore, #tpu.memory_space<semaphore_mem>>
      %dma_start3A = arith.constant 0 : i32
      %dma_start3A_49 = tpu.memref_slice %arg6[%arg0, %add3A_36, %dma_start3A] : memref<2x10240x128xf32, #tpu.memory_space<hbm>> -> memref<1x128x128xf32, #tpu.memory_space<hbm>>
      %dma_start3A_50 = tpu.memref_squeeze %dma_start3A_49 : memref<1x128x128xf32, #tpu.memory_space<hbm>> -> memref<128x128xf32, #tpu.memory_space<hbm>>
      %dma_start3A_51 = arith.constant 0 : i32
      %dma_start3A_52 = tpu.memref_slice %arg6[%arg0, %add3A_36, %dma_start3A_51] : memref<2x10240x128xf32, #tpu.memory_space<hbm>> -> memref<1x128x128xf32, #tpu.memory_space<hbm>>
      %dma_start3A_53 = tpu.memref_squeeze %dma_start3A_52 : memref<1x128x128xf32, #tpu.memory_space<hbm>> -> memref<128x128xf32, #tpu.memory_space<hbm>>
      tpu.enqueue_dma source(%arg9 : memref<128x128xf32, #tpu.memory_space<vmem>>) target(%dma_start3A_53 : memref<128x128xf32, #tpu.memory_space<hbm>>) target_semaphore(%run_scoped3A : memref<!tpu.dma_semaphore, #tpu.memory_space<semaphore_mem>>)
      %dma_wait3A = arith.constant 0 : i32
      %dma_wait3A_54 = tpu.memref_slice %arg6[%arg0, %add3A_36, %dma_wait3A] : memref<2x10240x128xf32, #tpu.memory_space<hbm>> -> memref<1x128x128xf32, #tpu.memory_space<hbm>>
      %dma_wait3A_55 = tpu.memref_squeeze %dma_wait3A_54 : memref<1x128x128xf32, #tpu.memory_space<hbm>> -> memref<128x128xf32, #tpu.memory_space<hbm>>
      %dma_wait3A_56 = arith.constant 0 : i32
      %dma_wait3A_57 = tpu.memref_slice %arg6[%arg0, %add3A_36, %dma_wait3A_56] : memref<2x10240x128xf32, #tpu.memory_space<hbm>> -> memref<1x128x128xf32, #tpu.memory_space<hbm>>
      %dma_wait3A_58 = tpu.memref_squeeze %dma_wait3A_57 : memref<1x128x128xf32, #tpu.memory_space<hbm>> -> memref<128x128xf32, #tpu.memory_space<hbm>>
      tpu.wait_dma2 semaphore(%run_scoped3A : memref<!tpu.dma_semaphore, #tpu.memory_space<semaphore_mem>>) src(%arg9 : memref<128x128xf32, #tpu.memory_space<vmem>>) dst(%dma_wait3A_58 : memref<128x128xf32, #tpu.memory_space<hbm>>)
      tpu.yield
    }) : () -> ()
    %mul3A_37 = arith.constant 640 : i32
    %mul3A_38 = arith.muli %arg1, %mul3A_37 : i32
    %add3A_39 = arith.constant 256 : i32
    %add3A_40 = arith.addi %mul3A_38, %add3A_39 : i32
    "tpu.region"() ({
      %run_scoped3A = tpu.sem_alloc : memref<!tpu.dma_semaphore, #tpu.memory_space<semaphore_mem>>
      %dma_start3A = arith.constant 0 : i32
      %dma_start3A_49 = tpu.memref_slice %arg10[%add3A_40, %dma_start3A] : memref<10240x128xf32, #tpu.memory_space<vmem_shared>> -> memref<128x128xf32, #tpu.memory_space<vmem_shared>>
      %dma_start3A_50 = arith.constant 0 : i32
      %dma_start3A_51 = tpu.memref_slice %arg10[%add3A_40, %dma_start3A_50] : memref<10240x128xf32, #tpu.memory_space<vmem_shared>> -> memref<128x128xf32, #tpu.memory_space<vmem_shared>>
      tpu.enqueue_dma source(%dma_start3A_51 : memref<128x128xf32, #tpu.memory_space<vmem_shared>>) target(%arg9 : memref<128x128xf32, #tpu.memory_space<vmem>>) target_semaphore(%run_scoped3A : memref<!tpu.dma_semaphore, #tpu.memory_space<semaphore_mem>>)
      %dma_wait3A = arith.constant 0 : i32
      %dma_wait3A_52 = tpu.memref_slice %arg10[%add3A_40, %dma_wait3A] : memref<10240x128xf32, #tpu.memory_space<vmem_shared>> -> memref<128x128xf32, #tpu.memory_space<vmem_shared>>
      %dma_wait3A_53 = arith.constant 0 : i32
      %dma_wait3A_54 = tpu.memref_slice %arg10[%add3A_40, %dma_wait3A_53] : memref<10240x128xf32, #tpu.memory_space<vmem_shared>> -> memref<128x128xf32, #tpu.memory_space<vmem_shared>>
      tpu.wait_dma2 semaphore(%run_scoped3A : memref<!tpu.dma_semaphore, #tpu.memory_space<semaphore_mem>>) src(%dma_wait3A_54 : memref<128x128xf32, #tpu.memory_space<vmem_shared>>) dst(%arg9 : memref<128x128xf32, #tpu.memory_space<vmem>>)
      tpu.yield
    }) : () -> ()
    "tpu.region"() ({
      %run_scoped3A = tpu.sem_alloc : memref<!tpu.dma_semaphore, #tpu.memory_space<semaphore_mem>>
      %dma_start3A = arith.constant 0 : i32
      %dma_start3A_49 = tpu.memref_slice %arg6[%arg0, %add3A_40, %dma_start3A] : memref<2x10240x128xf32, #tpu.memory_space<hbm>> -> memref<1x128x128xf32, #tpu.memory_space<hbm>>
      %dma_start3A_50 = tpu.memref_squeeze %dma_start3A_49 : memref<1x128x128xf32, #tpu.memory_space<hbm>> -> memref<128x128xf32, #tpu.memory_space<hbm>>
      %dma_start3A_51 = arith.constant 0 : i32
      %dma_start3A_52 = tpu.memref_slice %arg6[%arg0, %add3A_40, %dma_start3A_51] : memref<2x10240x128xf32, #tpu.memory_space<hbm>> -> memref<1x128x128xf32, #tpu.memory_space<hbm>>
      %dma_start3A_53 = tpu.memref_squeeze %dma_start3A_52 : memref<1x128x128xf32, #tpu.memory_space<hbm>> -> memref<128x128xf32, #tpu.memory_space<hbm>>
      tpu.enqueue_dma source(%arg9 : memref<128x128xf32, #tpu.memory_space<vmem>>) target(%dma_start3A_53 : memref<128x128xf32, #tpu.memory_space<hbm>>) target_semaphore(%run_scoped3A : memref<!tpu.dma_semaphore, #tpu.memory_space<semaphore_mem>>)
      %dma_wait3A = arith.constant 0 : i32
      %dma_wait3A_54 = tpu.memref_slice %arg6[%arg0, %add3A_40, %dma_wait3A] : memref<2x10240x128xf32, #tpu.memory_space<hbm>> -> memref<1x128x128xf32, #tpu.memory_space<hbm>>
      %dma_wait3A_55 = tpu.memref_squeeze %dma_wait3A_54 : memref<1x128x128xf32, #tpu.memory_space<hbm>> -> memref<128x128xf32, #tpu.memory_space<hbm>>
      %dma_wait3A_56 = arith.constant 0 : i32
      %dma_wait3A_57 = tpu.memref_slice %arg6[%arg0, %add3A_40, %dma_wait3A_56] : memref<2x10240x128xf32, #tpu.memory_space<hbm>> -> memref<1x128x128xf32, #tpu.memory_space<hbm>>
      %dma_wait3A_58 = tpu.memref_squeeze %dma_wait3A_57 : memref<1x128x128xf32, #tpu.memory_space<hbm>> -> memref<128x128xf32, #tpu.memory_space<hbm>>
      tpu.wait_dma2 semaphore(%run_scoped3A : memref<!tpu.dma_semaphore, #tpu.memory_space<semaphore_mem>>) src(%arg9 : memref<128x128xf32, #tpu.memory_space<vmem>>) dst(%dma_wait3A_58 : memref<128x128xf32, #tpu.memory_space<hbm>>)
      tpu.yield
    }) : () -> ()
    %mul3A_41 = arith.constant 640 : i32
    %mul3A_42 = arith.muli %arg1, %mul3A_41 : i32
    %add3A_43 = arith.constant 384 : i32
    %add3A_44 = arith.addi %mul3A_42, %add3A_43 : i32
    "tpu.region"() ({
      %run_scoped3A = tpu.sem_alloc : memref<!tpu.dma_semaphore, #tpu.memory_space<semaphore_mem>>
      %dma_start3A = arith.constant 0 : i32
      %dma_start3A_49 = tpu.memref_slice %arg10[%add3A_44, %dma_start3A] : memref<10240x128xf32, #tpu.memory_space<vmem_shared>> -> memref<128x128xf32, #tpu.memory_space<vmem_shared>>
      %dma_start3A_50 = arith.constant 0 : i32
      %dma_start3A_51 = tpu.memref_slice %arg10[%add3A_44, %dma_start3A_50] : memref<10240x128xf32, #tpu.memory_space<vmem_shared>> -> memref<128x128xf32, #tpu.memory_space<vmem_shared>>
      tpu.enqueue_dma source(%dma_start3A_51 : memref<128x128xf32, #tpu.memory_space<vmem_shared>>) target(%arg9 : memref<128x128xf32, #tpu.memory_space<vmem>>) target_semaphore(%run_scoped3A : memref<!tpu.dma_semaphore, #tpu.memory_space<semaphore_mem>>)
      %dma_wait3A = arith.constant 0 : i32
      %dma_wait3A_52 = tpu.memref_slice %arg10[%add3A_44, %dma_wait3A] : memref<10240x128xf32, #tpu.memory_space<vmem_shared>> -> memref<128x128xf32, #tpu.memory_space<vmem_shared>>
      %dma_wait3A_53 = arith.constant 0 : i32
      %dma_wait3A_54 = tpu.memref_slice %arg10[%add3A_44, %dma_wait3A_53] : memref<10240x128xf32, #tpu.memory_space<vmem_shared>> -> memref<128x128xf32, #tpu.memory_space<vmem_shared>>
      tpu.wait_dma2 semaphore(%run_scoped3A : memref<!tpu.dma_semaphore, #tpu.memory_space<semaphore_mem>>) src(%dma_wait3A_54 : memref<128x128xf32, #tpu.memory_space<vmem_shared>>) dst(%arg9 : memref<128x128xf32, #tpu.memory_space<vmem>>)
      tpu.yield
    }) : () -> ()
    "tpu.region"() ({
      %run_scoped3A = tpu.sem_alloc : memref<!tpu.dma_semaphore, #tpu.memory_space<semaphore_mem>>
      %dma_start3A = arith.constant 0 : i32
      %dma_start3A_49 = tpu.memref_slice %arg6[%arg0, %add3A_44, %dma_start3A] : memref<2x10240x128xf32, #tpu.memory_space<hbm>> -> memref<1x128x128xf32, #tpu.memory_space<hbm>>
      %dma_start3A_50 = tpu.memref_squeeze %dma_start3A_49 : memref<1x128x128xf32, #tpu.memory_space<hbm>> -> memref<128x128xf32, #tpu.memory_space<hbm>>
      %dma_start3A_51 = arith.constant 0 : i32
      %dma_start3A_52 = tpu.memref_slice %arg6[%arg0, %add3A_44, %dma_start3A_51] : memref<2x10240x128xf32, #tpu.memory_space<hbm>> -> memref<1x128x128xf32, #tpu.memory_space<hbm>>
      %dma_start3A_53 = tpu.memref_squeeze %dma_start3A_52 : memref<1x128x128xf32, #tpu.memory_space<hbm>> -> memref<128x128xf32, #tpu.memory_space<hbm>>
      tpu.enqueue_dma source(%arg9 : memref<128x128xf32, #tpu.memory_space<vmem>>) target(%dma_start3A_53 : memref<128x128xf32, #tpu.memory_space<hbm>>) target_semaphore(%run_scoped3A : memref<!tpu.dma_semaphore, #tpu.memory_space<semaphore_mem>>)
      %dma_wait3A = arith.constant 0 : i32
      %dma_wait3A_54 = tpu.memref_slice %arg6[%arg0, %add3A_44, %dma_wait3A] : memref<2x10240x128xf32, #tpu.memory_space<hbm>> -> memref<1x128x128xf32, #tpu.memory_space<hbm>>
      %dma_wait3A_55 = tpu.memref_squeeze %dma_wait3A_54 : memref<1x128x128xf32, #tpu.memory_space<hbm>> -> memref<128x128xf32, #tpu.memory_space<hbm>>
      %dma_wait3A_56 = arith.constant 0 : i32
      %dma_wait3A_57 = tpu.memref_slice %arg6[%arg0, %add3A_44, %dma_wait3A_56] : memref<2x10240x128xf32, #tpu.memory_space<hbm>> -> memref<1x128x128xf32, #tpu.memory_space<hbm>>
      %dma_wait3A_58 = tpu.memref_squeeze %dma_wait3A_57 : memref<1x128x128xf32, #tpu.memory_space<hbm>> -> memref<128x128xf32, #tpu.memory_space<hbm>>
      tpu.wait_dma2 semaphore(%run_scoped3A : memref<!tpu.dma_semaphore, #tpu.memory_space<semaphore_mem>>) src(%arg9 : memref<128x128xf32, #tpu.memory_space<vmem>>) dst(%dma_wait3A_58 : memref<128x128xf32, #tpu.memory_space<hbm>>)
      tpu.yield
    }) : () -> ()
    %mul3A_45 = arith.constant 640 : i32
    %mul3A_46 = arith.muli %arg1, %mul3A_45 : i32
    %add3A_47 = arith.constant 512 : i32
    %add3A_48 = arith.addi %mul3A_46, %add3A_47 : i32
    "tpu.region"() ({
      %run_scoped3A = tpu.sem_alloc : memref<!tpu.dma_semaphore, #tpu.memory_space<semaphore_mem>>
      %dma_start3A = arith.constant 0 : i32
      %dma_start3A_49 = tpu.memref_slice %arg10[%add3A_48, %dma_start3A] : memref<10240x128xf32, #tpu.memory_space<vmem_shared>> -> memref<128x128xf32, #tpu.memory_space<vmem_shared>>
      %dma_start3A_50 = arith.constant 0 : i32
      %dma_start3A_51 = tpu.memref_slice %arg10[%add3A_48, %dma_start3A_50] : memref<10240x128xf32, #tpu.memory_space<vmem_shared>> -> memref<128x128xf32, #tpu.memory_space<vmem_shared>>
      tpu.enqueue_dma source(%dma_start3A_51 : memref<128x128xf32, #tpu.memory_space<vmem_shared>>) target(%arg9 : memref<128x128xf32, #tpu.memory_space<vmem>>) target_semaphore(%run_scoped3A : memref<!tpu.dma_semaphore, #tpu.memory_space<semaphore_mem>>)
      %dma_wait3A = arith.constant 0 : i32
      %dma_wait3A_52 = tpu.memref_slice %arg10[%add3A_48, %dma_wait3A] : memref<10240x128xf32, #tpu.memory_space<vmem_shared>> -> memref<128x128xf32, #tpu.memory_space<vmem_shared>>
      %dma_wait3A_53 = arith.constant 0 : i32
      %dma_wait3A_54 = tpu.memref_slice %arg10[%add3A_48, %dma_wait3A_53] : memref<10240x128xf32, #tpu.memory_space<vmem_shared>> -> memref<128x128xf32, #tpu.memory_space<vmem_shared>>
      tpu.wait_dma2 semaphore(%run_scoped3A : memref<!tpu.dma_semaphore, #tpu.memory_space<semaphore_mem>>) src(%dma_wait3A_54 : memref<128x128xf32, #tpu.memory_space<vmem_shared>>) dst(%arg9 : memref<128x128xf32, #tpu.memory_space<vmem>>)
      tpu.yield
    }) : () -> ()
    "tpu.region"() ({
      %run_scoped3A = tpu.sem_alloc : memref<!tpu.dma_semaphore, #tpu.memory_space<semaphore_mem>>
      %dma_start3A = arith.constant 0 : i32
      %dma_start3A_49 = tpu.memref_slice %arg6[%arg0, %add3A_48, %dma_start3A] : memref<2x10240x128xf32, #tpu.memory_space<hbm>> -> memref<1x128x128xf32, #tpu.memory_space<hbm>>
      %dma_start3A_50 = tpu.memref_squeeze %dma_start3A_49 : memref<1x128x128xf32, #tpu.memory_space<hbm>> -> memref<128x128xf32, #tpu.memory_space<hbm>>
      %dma_start3A_51 = arith.constant 0 : i32
      %dma_start3A_52 = tpu.memref_slice %arg6[%arg0, %add3A_48, %dma_start3A_51] : memref<2x10240x128xf32, #tpu.memory_space<hbm>> -> memref<1x128x128xf32, #tpu.memory_space<hbm>>
      %dma_start3A_53 = tpu.memref_squeeze %dma_start3A_52 : memref<1x128x128xf32, #tpu.memory_space<hbm>> -> memref<128x128xf32, #tpu.memory_space<hbm>>
      tpu.enqueue_dma source(%arg9 : memref<128x128xf32, #tpu.memory_space<vmem>>) target(%dma_start3A_53 : memref<128x128xf32, #tpu.memory_space<hbm>>) target_semaphore(%run_scoped3A : memref<!tpu.dma_semaphore, #tpu.memory_space<semaphore_mem>>)
      %dma_wait3A = arith.constant 0 : i32
      %dma_wait3A_54 = tpu.memref_slice %arg6[%arg0, %add3A_48, %dma_wait3A] : memref<2x10240x128xf32, #tpu.memory_space<hbm>> -> memref<1x128x128xf32, #tpu.memory_space<hbm>>
      %dma_wait3A_55 = tpu.memref_squeeze %dma_wait3A_54 : memref<1x128x128xf32, #tpu.memory_space<hbm>> -> memref<128x128xf32, #tpu.memory_space<hbm>>
      %dma_wait3A_56 = arith.constant 0 : i32
      %dma_wait3A_57 = tpu.memref_slice %arg6[%arg0, %add3A_48, %dma_wait3A_56] : memref<2x10240x128xf32, #tpu.memory_space<hbm>> -> memref<1x128x128xf32, #tpu.memory_space<hbm>>
      %dma_wait3A_58 = tpu.memref_squeeze %dma_wait3A_57 : memref<1x128x128xf32, #tpu.memory_space<hbm>> -> memref<128x128xf32, #tpu.memory_space<hbm>>
      tpu.wait_dma2 semaphore(%run_scoped3A : memref<!tpu.dma_semaphore, #tpu.memory_space<semaphore_mem>>) src(%arg9 : memref<128x128xf32, #tpu.memory_space<vmem>>) dst(%dma_wait3A_58 : memref<128x128xf32, #tpu.memory_space<hbm>>)
      tpu.yield
    }) : () -> ()
    return
  }
}

#map = affine_map<(d0, d1) -> (0, 0)>
#map1 = affine_map<(d0, d1) -> (0)>
#map2 = affine_map<(d0, d1) -> (0, 0, 0)>
module attributes {stable_mosaic.version = 14 : i64} {
  func.func @edge_pass(%arg0: i32, %arg1: i32, %arg2: memref<10240x128xf32, #tpu.memory_space<hbm>>, %arg3: memref<323712xi32, #tpu.memory_space<hbm>>, %arg4: memref<323584xi32, #tpu.memory_space<hbm>>, %arg5: memref<128x128xf32, #tpu.memory_space<hbm>>, %arg6: memref<2x10240x128xf32, #tpu.memory_space<hbm>>, %arg7: memref<128xi32, #tpu.memory_space<vmem>>, %arg8: memref<128xi32, #tpu.memory_space<vmem>>, %arg9: memref<128x128xf32, #tpu.memory_space<vmem>>, %arg10: memref<10240x128xf32, #tpu.memory_space<vmem_shared>>, %arg11: memref<!tpu.dma_semaphore, #tpu.memory_space<semaphore_mem>>, %arg12: memref<!tpu.dma_semaphore, #tpu.memory_space<semaphore_mem>>) attributes {dimension_semantics = [#tpu.dimension_semantics<core_parallel>, #tpu.dimension_semantics<subcore_parallel>], iteration_bounds = array<i64: 2, 16>, scalar_prefetch = 0 : i64, scratch_operands = 6 : i64, tpu.core_type = #tpu.core_type<sc_vector_subcore>, window_params = [{transform_indices = #map}, {transform_indices = #map1}, {transform_indices = #map1}, {transform_indices = #map}, {transform_indices = #map2}]} {
    %mul3A = arith.constant 2 : i32
    %mul3A_0 = arith.muli %arg1, %mul3A : i32
    %add3A = arith.addi %mul3A_0, %arg0 : i32
    "tpu.region"() ({
      %run_scoped3A = tpu.sem_alloc : memref<!tpu.dma_semaphore, #tpu.memory_space<semaphore_mem>>
      tpu.enqueue_dma source(%arg5 : memref<128x128xf32, #tpu.memory_space<hbm>>) target(%arg9 : memref<128x128xf32, #tpu.memory_space<vmem>>) target_semaphore(%run_scoped3A : memref<!tpu.dma_semaphore, #tpu.memory_space<semaphore_mem>>)
      tpu.wait_dma2 semaphore(%run_scoped3A : memref<!tpu.dma_semaphore, #tpu.memory_space<semaphore_mem>>) src(%arg5 : memref<128x128xf32, #tpu.memory_space<hbm>>) dst(%arg9 : memref<128x128xf32, #tpu.memory_space<vmem>>)
      tpu.yield
    }) : () -> ()
    %mul3A_1 = arith.constant 640 : i32
    %mul3A_2 = arith.muli %arg1, %mul3A_1 : i32
    %add3A_3 = arith.constant 0 : i32
    %add3A_4 = arith.addi %mul3A_2, %add3A_3 : i32
    "tpu.region"() ({
      %run_scoped3A = tpu.sem_alloc : memref<!tpu.dma_semaphore, #tpu.memory_space<semaphore_mem>>
      %dma_start3A = arith.constant 0 : i32
      %dma_start3A_49 = tpu.memref_slice %arg10[%add3A_4, %dma_start3A] : memref<10240x128xf32, #tpu.memory_space<vmem_shared>> -> memref<128x128xf32, #tpu.memory_space<vmem_shared>>
      %dma_start3A_50 = arith.constant 0 : i32
      %dma_start3A_51 = tpu.memref_slice %arg10[%add3A_4, %dma_start3A_50] : memref<10240x128xf32, #tpu.memory_space<vmem_shared>> -> memref<128x128xf32, #tpu.memory_space<vmem_shared>>
      tpu.enqueue_dma source(%arg9 : memref<128x128xf32, #tpu.memory_space<vmem>>) target(%dma_start3A_51 : memref<128x128xf32, #tpu.memory_space<vmem_shared>>) target_semaphore(%run_scoped3A : memref<!tpu.dma_semaphore, #tpu.memory_space<semaphore_mem>>)
      %dma_wait3A = arith.constant 0 : i32
      %dma_wait3A_52 = tpu.memref_slice %arg10[%add3A_4, %dma_wait3A] : memref<10240x128xf32, #tpu.memory_space<vmem_shared>> -> memref<128x128xf32, #tpu.memory_space<vmem_shared>>
      %dma_wait3A_53 = arith.constant 0 : i32
      %dma_wait3A_54 = tpu.memref_slice %arg10[%add3A_4, %dma_wait3A_53] : memref<10240x128xf32, #tpu.memory_space<vmem_shared>> -> memref<128x128xf32, #tpu.memory_space<vmem_shared>>
      tpu.wait_dma2 semaphore(%run_scoped3A : memref<!tpu.dma_semaphore, #tpu.memory_space<semaphore_mem>>) src(%arg9 : memref<128x128xf32, #tpu.memory_space<vmem>>) dst(%dma_wait3A_54 : memref<128x128xf32, #tpu.memory_space<vmem_shared>>)
      tpu.yield
    }) : () -> ()
    %mul3A_5 = arith.constant 640 : i32
    %mul3A_6 = arith.muli %arg1, %mul3A_5 : i32
    %add3A_7 = arith.constant 128 : i32
    %add3A_8 = arith.addi %mul3A_6, %add3A_7 : i32
    "tpu.region"() ({
      %run_scoped3A = tpu.sem_alloc : memref<!tpu.dma_semaphore, #tpu.memory_space<semaphore_mem>>
      %dma_start3A = arith.constant 0 : i32
      %dma_start3A_49 = tpu.memref_slice %arg10[%add3A_8, %dma_start3A] : memref<10240x128xf32, #tpu.memory_space<vmem_shared>> -> memref<128x128xf32, #tpu.memory_space<vmem_shared>>
      %dma_start3A_50 = arith.constant 0 : i32
      %dma_start3A_51 = tpu.memref_slice %arg10[%add3A_8, %dma_start3A_50] : memref<10240x128xf32, #tpu.memory_space<vmem_shared>> -> memref<128x128xf32, #tpu.memory_space<vmem_shared>>
      tpu.enqueue_dma source(%arg9 : memref<128x128xf32, #tpu.memory_space<vmem>>) target(%dma_start3A_51 : memref<128x128xf32, #tpu.memory_space<vmem_shared>>) target_semaphore(%run_scoped3A : memref<!tpu.dma_semaphore, #tpu.memory_space<semaphore_mem>>)
      %dma_wait3A = arith.constant 0 : i32
      %dma_wait3A_52 = tpu.memref_slice %arg10[%add3A_8, %dma_wait3A] : memref<10240x128xf32, #tpu.memory_space<vmem_shared>> -> memref<128x128xf32, #tpu.memory_space<vmem_shared>>
      %dma_wait3A_53 = arith.constant 0 : i32
      %dma_wait3A_54 = tpu.memref_slice %arg10[%add3A_8, %dma_wait3A_53] : memref<10240x128xf32, #tpu.memory_space<vmem_shared>> -> memref<128x128xf32, #tpu.memory_space<vmem_shared>>
      tpu.wait_dma2 semaphore(%run_scoped3A : memref<!tpu.dma_semaphore, #tpu.memory_space<semaphore_mem>>) src(%arg9 : memref<128x128xf32, #tpu.memory_space<vmem>>) dst(%dma_wait3A_54 : memref<128x128xf32, #tpu.memory_space<vmem_shared>>)
      tpu.yield
    }) : () -> ()
    %mul3A_9 = arith.constant 640 : i32
    %mul3A_10 = arith.muli %arg1, %mul3A_9 : i32
    %add3A_11 = arith.constant 256 : i32
    %add3A_12 = arith.addi %mul3A_10, %add3A_11 : i32
    "tpu.region"() ({
      %run_scoped3A = tpu.sem_alloc : memref<!tpu.dma_semaphore, #tpu.memory_space<semaphore_mem>>
      %dma_start3A = arith.constant 0 : i32
      %dma_start3A_49 = tpu.memref_slice %arg10[%add3A_12, %dma_start3A] : memref<10240x128xf32, #tpu.memory_space<vmem_shared>> -> memref<128x128xf32, #tpu.memory_space<vmem_shared>>
      %dma_start3A_50 = arith.constant 0 : i32
      %dma_start3A_51 = tpu.memref_slice %arg10[%add3A_12, %dma_start3A_50] : memref<10240x128xf32, #tpu.memory_space<vmem_shared>> -> memref<128x128xf32, #tpu.memory_space<vmem_shared>>
      tpu.enqueue_dma source(%arg9 : memref<128x128xf32, #tpu.memory_space<vmem>>) target(%dma_start3A_51 : memref<128x128xf32, #tpu.memory_space<vmem_shared>>) target_semaphore(%run_scoped3A : memref<!tpu.dma_semaphore, #tpu.memory_space<semaphore_mem>>)
      %dma_wait3A = arith.constant 0 : i32
      %dma_wait3A_52 = tpu.memref_slice %arg10[%add3A_12, %dma_wait3A] : memref<10240x128xf32, #tpu.memory_space<vmem_shared>> -> memref<128x128xf32, #tpu.memory_space<vmem_shared>>
      %dma_wait3A_53 = arith.constant 0 : i32
      %dma_wait3A_54 = tpu.memref_slice %arg10[%add3A_12, %dma_wait3A_53] : memref<10240x128xf32, #tpu.memory_space<vmem_shared>> -> memref<128x128xf32, #tpu.memory_space<vmem_shared>>
      tpu.wait_dma2 semaphore(%run_scoped3A : memref<!tpu.dma_semaphore, #tpu.memory_space<semaphore_mem>>) src(%arg9 : memref<128x128xf32, #tpu.memory_space<vmem>>) dst(%dma_wait3A_54 : memref<128x128xf32, #tpu.memory_space<vmem_shared>>)
      tpu.yield
    }) : () -> ()
    %mul3A_13 = arith.constant 640 : i32
    %mul3A_14 = arith.muli %arg1, %mul3A_13 : i32
    %add3A_15 = arith.constant 384 : i32
    %add3A_16 = arith.addi %mul3A_14, %add3A_15 : i32
    "tpu.region"() ({
      %run_scoped3A = tpu.sem_alloc : memref<!tpu.dma_semaphore, #tpu.memory_space<semaphore_mem>>
      %dma_start3A = arith.constant 0 : i32
      %dma_start3A_49 = tpu.memref_slice %arg10[%add3A_16, %dma_start3A] : memref<10240x128xf32, #tpu.memory_space<vmem_shared>> -> memref<128x128xf32, #tpu.memory_space<vmem_shared>>
      %dma_start3A_50 = arith.constant 0 : i32
      %dma_start3A_51 = tpu.memref_slice %arg10[%add3A_16, %dma_start3A_50] : memref<10240x128xf32, #tpu.memory_space<vmem_shared>> -> memref<128x128xf32, #tpu.memory_space<vmem_shared>>
      tpu.enqueue_dma source(%arg9 : memref<128x128xf32, #tpu.memory_space<vmem>>) target(%dma_start3A_51 : memref<128x128xf32, #tpu.memory_space<vmem_shared>>) target_semaphore(%run_scoped3A : memref<!tpu.dma_semaphore, #tpu.memory_space<semaphore_mem>>)
      %dma_wait3A = arith.constant 0 : i32
      %dma_wait3A_52 = tpu.memref_slice %arg10[%add3A_16, %dma_wait3A] : memref<10240x128xf32, #tpu.memory_space<vmem_shared>> -> memref<128x128xf32, #tpu.memory_space<vmem_shared>>
      %dma_wait3A_53 = arith.constant 0 : i32
      %dma_wait3A_54 = tpu.memref_slice %arg10[%add3A_16, %dma_wait3A_53] : memref<10240x128xf32, #tpu.memory_space<vmem_shared>> -> memref<128x128xf32, #tpu.memory_space<vmem_shared>>
      tpu.wait_dma2 semaphore(%run_scoped3A : memref<!tpu.dma_semaphore, #tpu.memory_space<semaphore_mem>>) src(%arg9 : memref<128x128xf32, #tpu.memory_space<vmem>>) dst(%dma_wait3A_54 : memref<128x128xf32, #tpu.memory_space<vmem_shared>>)
      tpu.yield
    }) : () -> ()
    %mul3A_17 = arith.constant 640 : i32
    %mul3A_18 = arith.muli %arg1, %mul3A_17 : i32
    %add3A_19 = arith.constant 512 : i32
    %add3A_20 = arith.addi %mul3A_18, %add3A_19 : i32
    "tpu.region"() ({
      %run_scoped3A = tpu.sem_alloc : memref<!tpu.dma_semaphore, #tpu.memory_space<semaphore_mem>>
      %dma_start3A = arith.constant 0 : i32
      %dma_start3A_49 = tpu.memref_slice %arg10[%add3A_20, %dma_start3A] : memref<10240x128xf32, #tpu.memory_space<vmem_shared>> -> memref<128x128xf32, #tpu.memory_space<vmem_shared>>
      %dma_start3A_50 = arith.constant 0 : i32
      %dma_start3A_51 = tpu.memref_slice %arg10[%add3A_20, %dma_start3A_50] : memref<10240x128xf32, #tpu.memory_space<vmem_shared>> -> memref<128x128xf32, #tpu.memory_space<vmem_shared>>
      tpu.enqueue_dma source(%arg9 : memref<128x128xf32, #tpu.memory_space<vmem>>) target(%dma_start3A_51 : memref<128x128xf32, #tpu.memory_space<vmem_shared>>) target_semaphore(%run_scoped3A : memref<!tpu.dma_semaphore, #tpu.memory_space<semaphore_mem>>)
      %dma_wait3A = arith.constant 0 : i32
      %dma_wait3A_52 = tpu.memref_slice %arg10[%add3A_20, %dma_wait3A] : memref<10240x128xf32, #tpu.memory_space<vmem_shared>> -> memref<128x128xf32, #tpu.memory_space<vmem_shared>>
      %dma_wait3A_53 = arith.constant 0 : i32
      %dma_wait3A_54 = tpu.memref_slice %arg10[%add3A_20, %dma_wait3A_53] : memref<10240x128xf32, #tpu.memory_space<vmem_shared>> -> memref<128x128xf32, #tpu.memory_space<vmem_shared>>
      tpu.wait_dma2 semaphore(%run_scoped3A : memref<!tpu.dma_semaphore, #tpu.memory_space<semaphore_mem>>) src(%arg9 : memref<128x128xf32, #tpu.memory_space<vmem>>) dst(%dma_wait3A_54 : memref<128x128xf32, #tpu.memory_space<vmem_shared>>)
      tpu.yield
    }) : () -> ()
    %barrier3A = arith.constant 0 : index
    tpu.barrier barrier_id(%barrier3A)
    %mul3A_21 = arith.constant 10112 : i32
    %mul3A_22 = arith.muli %add3A, %mul3A_21 : i32
    "tpu.region"() ({
      %run_scoped3A = tpu.sem_alloc : memref<!tpu.dma_semaphore, #tpu.memory_space<semaphore_mem>>
      %dma_start3A = tpu.memref_slice %arg3[%mul3A_22] : memref<323712xi32, #tpu.memory_space<hbm>> -> memref<128xi32, #tpu.memory_space<hbm>>
      %dma_start3A_49 = tpu.memref_slice %arg3[%mul3A_22] : memref<323712xi32, #tpu.memory_space<hbm>> -> memref<128xi32, #tpu.memory_space<hbm>>
      tpu.enqueue_dma source(%dma_start3A_49 : memref<128xi32, #tpu.memory_space<hbm>>) target(%arg7 : memref<128xi32, #tpu.memory_space<vmem>>) target_semaphore(%run_scoped3A : memref<!tpu.dma_semaphore, #tpu.memory_space<semaphore_mem>>)
      %dma_wait3A = tpu.memref_slice %arg3[%mul3A_22] : memref<323712xi32, #tpu.memory_space<hbm>> -> memref<128xi32, #tpu.memory_space<hbm>>
      %dma_wait3A_50 = tpu.memref_slice %arg3[%mul3A_22] : memref<323712xi32, #tpu.memory_space<hbm>> -> memref<128xi32, #tpu.memory_space<hbm>>
      tpu.wait_dma2 semaphore(%run_scoped3A : memref<!tpu.dma_semaphore, #tpu.memory_space<semaphore_mem>>) src(%dma_wait3A_50 : memref<128xi32, #tpu.memory_space<hbm>>) dst(%arg7 : memref<128xi32, #tpu.memory_space<vmem>>)
      tpu.yield
    }) : () -> ()
    %scan3A = arith.constant 0 : i32
    %scan3A_23 = arith.constant 0 : i32
    %scan3A_24 = arith.constant 79 : i32
    %scan3A_25 = arith.addi %scan3A_23, %scan3A_24 : i32
    %scan3A_26 = arith.constant 1 : i32
    scf.for %scan3A_49 = %scan3A_23 to %scan3A_25 step %scan3A_26  : i32 {
      %mul3A_50 = arith.constant 128 : i32
      %mul3A_51 = arith.muli %scan3A_49, %mul3A_50 : i32
      %add3A_52 = arith.addi %mul3A_22, %mul3A_51 : i32
      %dma_start3A = arith.constant 0 : i32
      %dma_start3A_53 = arith.constant 0 : i32
      %dma_start3A_54 = tpu.memref_slice %arg2[%dma_start3A, %dma_start3A_53] : memref<10240x128xf32, #tpu.memory_space<hbm>> -> memref<10240x128xf32, #tpu.memory_space<hbm>>
      tpu.enqueue_indirect_dma source(%dma_start3A_54 : memref<10240x128xf32, #tpu.memory_space<hbm>>) target(%arg9 : memref<128x128xf32, #tpu.memory_space<vmem>>) offsets(%arg7 : memref<128xi32, #tpu.memory_space<vmem>>) semaphore(%arg11 : memref<!tpu.dma_semaphore, #tpu.memory_space<semaphore_mem>>)
      "tpu.region"() ({
        %run_scoped3A = tpu.sem_alloc : memref<!tpu.dma_semaphore, #tpu.memory_space<semaphore_mem>>
        %dma_start3A_65 = tpu.memref_slice %arg4[%add3A_52] : memref<323584xi32, #tpu.memory_space<hbm>> -> memref<128xi32, #tpu.memory_space<hbm>>
        %dma_start3A_66 = tpu.memref_slice %arg4[%add3A_52] : memref<323584xi32, #tpu.memory_space<hbm>> -> memref<128xi32, #tpu.memory_space<hbm>>
        tpu.enqueue_dma source(%dma_start3A_66 : memref<128xi32, #tpu.memory_space<hbm>>) target(%arg8 : memref<128xi32, #tpu.memory_space<vmem>>) target_semaphore(%run_scoped3A : memref<!tpu.dma_semaphore, #tpu.memory_space<semaphore_mem>>)
        %dma_wait3A_67 = tpu.memref_slice %arg4[%add3A_52] : memref<323584xi32, #tpu.memory_space<hbm>> -> memref<128xi32, #tpu.memory_space<hbm>>
        %dma_wait3A_68 = tpu.memref_slice %arg4[%add3A_52] : memref<323584xi32, #tpu.memory_space<hbm>> -> memref<128xi32, #tpu.memory_space<hbm>>
        tpu.wait_dma2 semaphore(%run_scoped3A : memref<!tpu.dma_semaphore, #tpu.memory_space<semaphore_mem>>) src(%dma_wait3A_68 : memref<128xi32, #tpu.memory_space<hbm>>) dst(%arg8 : memref<128xi32, #tpu.memory_space<vmem>>)
        tpu.yield
      }) : () -> ()
      %dma_wait3A = arith.constant 0 : i32
      %dma_wait3A_55 = arith.constant 0 : i32
      %dma_wait3A_56 = tpu.memref_slice %arg2[%dma_wait3A, %dma_wait3A_55] : memref<10240x128xf32, #tpu.memory_space<hbm>> -> memref<10240x128xf32, #tpu.memory_space<hbm>>
      tpu.wait_indirect_dma semaphore(%arg11 : memref<!tpu.dma_semaphore, #tpu.memory_space<semaphore_mem>>) src(%dma_wait3A_56 : memref<10240x128xf32, #tpu.memory_space<hbm>>) dst(%arg9 : memref<128x128xf32, #tpu.memory_space<vmem>>)
      %dma_start3A_57 = arith.constant 0 : i32
      %dma_start3A_58 = arith.constant 0 : i32
      %dma_start3A_59 = tpu.memref_slice %arg10[%dma_start3A_57, %dma_start3A_58] : memref<10240x128xf32, #tpu.memory_space<vmem_shared>> -> memref<10240x128xf32, #tpu.memory_space<vmem_shared>>
      tpu.enqueue_indirect_dma source(%arg9 : memref<128x128xf32, #tpu.memory_space<vmem>>) target(%dma_start3A_59 : memref<10240x128xf32, #tpu.memory_space<vmem_shared>>) offsets(%arg8 : memref<128xi32, #tpu.memory_space<vmem>>) semaphore(%arg12 : memref<!tpu.dma_semaphore, #tpu.memory_space<semaphore_mem>>) {add = true}
      %add3A_60 = arith.constant 128 : i32
      %add3A_61 = arith.addi %add3A_52, %add3A_60 : i32
      "tpu.region"() ({
        %run_scoped3A = tpu.sem_alloc : memref<!tpu.dma_semaphore, #tpu.memory_space<semaphore_mem>>
        %dma_start3A_65 = tpu.memref_slice %arg3[%add3A_61] : memref<323712xi32, #tpu.memory_space<hbm>> -> memref<128xi32, #tpu.memory_space<hbm>>
        %dma_start3A_66 = tpu.memref_slice %arg3[%add3A_61] : memref<323712xi32, #tpu.memory_space<hbm>> -> memref<128xi32, #tpu.memory_space<hbm>>
        tpu.enqueue_dma source(%dma_start3A_66 : memref<128xi32, #tpu.memory_space<hbm>>) target(%arg7 : memref<128xi32, #tpu.memory_space<vmem>>) target_semaphore(%run_scoped3A : memref<!tpu.dma_semaphore, #tpu.memory_space<semaphore_mem>>)
        %dma_wait3A_67 = tpu.memref_slice %arg3[%add3A_61] : memref<323712xi32, #tpu.memory_space<hbm>> -> memref<128xi32, #tpu.memory_space<hbm>>
        %dma_wait3A_68 = tpu.memref_slice %arg3[%add3A_61] : memref<323712xi32, #tpu.memory_space<hbm>> -> memref<128xi32, #tpu.memory_space<hbm>>
        tpu.wait_dma2 semaphore(%run_scoped3A : memref<!tpu.dma_semaphore, #tpu.memory_space<semaphore_mem>>) src(%dma_wait3A_68 : memref<128xi32, #tpu.memory_space<hbm>>) dst(%arg7 : memref<128xi32, #tpu.memory_space<vmem>>)
        tpu.yield
      }) : () -> ()
      %dma_wait3A_62 = arith.constant 0 : i32
      %dma_wait3A_63 = arith.constant 0 : i32
      %dma_wait3A_64 = tpu.memref_slice %arg10[%dma_wait3A_62, %dma_wait3A_63] : memref<10240x128xf32, #tpu.memory_space<vmem_shared>> -> memref<10240x128xf32, #tpu.memory_space<vmem_shared>>
      tpu.wait_indirect_dma semaphore(%arg12 : memref<!tpu.dma_semaphore, #tpu.memory_space<semaphore_mem>>) src(%arg9 : memref<128x128xf32, #tpu.memory_space<vmem>>) dst(%dma_wait3A_64 : memref<10240x128xf32, #tpu.memory_space<vmem_shared>>)
    }
    %scan3A_27 = arith.constant 79 : i32
    %barrier3A_28 = arith.constant 0 : index
    tpu.barrier barrier_id(%barrier3A_28)
    %mul3A_29 = arith.constant 640 : i32
    %mul3A_30 = arith.muli %arg1, %mul3A_29 : i32
    %add3A_31 = arith.constant 0 : i32
    %add3A_32 = arith.addi %mul3A_30, %add3A_31 : i32
    "tpu.region"() ({
      %run_scoped3A = tpu.sem_alloc : memref<!tpu.dma_semaphore, #tpu.memory_space<semaphore_mem>>
      %dma_start3A = arith.constant 0 : i32
      %dma_start3A_49 = tpu.memref_slice %arg10[%add3A_32, %dma_start3A] : memref<10240x128xf32, #tpu.memory_space<vmem_shared>> -> memref<128x128xf32, #tpu.memory_space<vmem_shared>>
      %dma_start3A_50 = arith.constant 0 : i32
      %dma_start3A_51 = tpu.memref_slice %arg10[%add3A_32, %dma_start3A_50] : memref<10240x128xf32, #tpu.memory_space<vmem_shared>> -> memref<128x128xf32, #tpu.memory_space<vmem_shared>>
      tpu.enqueue_dma source(%dma_start3A_51 : memref<128x128xf32, #tpu.memory_space<vmem_shared>>) target(%arg9 : memref<128x128xf32, #tpu.memory_space<vmem>>) target_semaphore(%run_scoped3A : memref<!tpu.dma_semaphore, #tpu.memory_space<semaphore_mem>>)
      %dma_wait3A = arith.constant 0 : i32
      %dma_wait3A_52 = tpu.memref_slice %arg10[%add3A_32, %dma_wait3A] : memref<10240x128xf32, #tpu.memory_space<vmem_shared>> -> memref<128x128xf32, #tpu.memory_space<vmem_shared>>
      %dma_wait3A_53 = arith.constant 0 : i32
      %dma_wait3A_54 = tpu.memref_slice %arg10[%add3A_32, %dma_wait3A_53] : memref<10240x128xf32, #tpu.memory_space<vmem_shared>> -> memref<128x128xf32, #tpu.memory_space<vmem_shared>>
      tpu.wait_dma2 semaphore(%run_scoped3A : memref<!tpu.dma_semaphore, #tpu.memory_space<semaphore_mem>>) src(%dma_wait3A_54 : memref<128x128xf32, #tpu.memory_space<vmem_shared>>) dst(%arg9 : memref<128x128xf32, #tpu.memory_space<vmem>>)
      tpu.yield
    }) : () -> ()
    "tpu.region"() ({
      %run_scoped3A = tpu.sem_alloc : memref<!tpu.dma_semaphore, #tpu.memory_space<semaphore_mem>>
      %dma_start3A = arith.constant 0 : i32
      %dma_start3A_49 = tpu.memref_slice %arg6[%arg0, %add3A_32, %dma_start3A] : memref<2x10240x128xf32, #tpu.memory_space<hbm>> -> memref<1x128x128xf32, #tpu.memory_space<hbm>>
      %dma_start3A_50 = tpu.memref_squeeze %dma_start3A_49 : memref<1x128x128xf32, #tpu.memory_space<hbm>> -> memref<128x128xf32, #tpu.memory_space<hbm>>
      %dma_start3A_51 = arith.constant 0 : i32
      %dma_start3A_52 = tpu.memref_slice %arg6[%arg0, %add3A_32, %dma_start3A_51] : memref<2x10240x128xf32, #tpu.memory_space<hbm>> -> memref<1x128x128xf32, #tpu.memory_space<hbm>>
      %dma_start3A_53 = tpu.memref_squeeze %dma_start3A_52 : memref<1x128x128xf32, #tpu.memory_space<hbm>> -> memref<128x128xf32, #tpu.memory_space<hbm>>
      tpu.enqueue_dma source(%arg9 : memref<128x128xf32, #tpu.memory_space<vmem>>) target(%dma_start3A_53 : memref<128x128xf32, #tpu.memory_space<hbm>>) target_semaphore(%run_scoped3A : memref<!tpu.dma_semaphore, #tpu.memory_space<semaphore_mem>>)
      %dma_wait3A = arith.constant 0 : i32
      %dma_wait3A_54 = tpu.memref_slice %arg6[%arg0, %add3A_32, %dma_wait3A] : memref<2x10240x128xf32, #tpu.memory_space<hbm>> -> memref<1x128x128xf32, #tpu.memory_space<hbm>>
      %dma_wait3A_55 = tpu.memref_squeeze %dma_wait3A_54 : memref<1x128x128xf32, #tpu.memory_space<hbm>> -> memref<128x128xf32, #tpu.memory_space<hbm>>
      %dma_wait3A_56 = arith.constant 0 : i32
      %dma_wait3A_57 = tpu.memref_slice %arg6[%arg0, %add3A_32, %dma_wait3A_56] : memref<2x10240x128xf32, #tpu.memory_space<hbm>> -> memref<1x128x128xf32, #tpu.memory_space<hbm>>
      %dma_wait3A_58 = tpu.memref_squeeze %dma_wait3A_57 : memref<1x128x128xf32, #tpu.memory_space<hbm>> -> memref<128x128xf32, #tpu.memory_space<hbm>>
      tpu.wait_dma2 semaphore(%run_scoped3A : memref<!tpu.dma_semaphore, #tpu.memory_space<semaphore_mem>>) src(%arg9 : memref<128x128xf32, #tpu.memory_space<vmem>>) dst(%dma_wait3A_58 : memref<128x128xf32, #tpu.memory_space<hbm>>)
      tpu.yield
    }) : () -> ()
    %mul3A_33 = arith.constant 640 : i32
    %mul3A_34 = arith.muli %arg1, %mul3A_33 : i32
    %add3A_35 = arith.constant 128 : i32
    %add3A_36 = arith.addi %mul3A_34, %add3A_35 : i32
    "tpu.region"() ({
      %run_scoped3A = tpu.sem_alloc : memref<!tpu.dma_semaphore, #tpu.memory_space<semaphore_mem>>
      %dma_start3A = arith.constant 0 : i32
      %dma_start3A_49 = tpu.memref_slice %arg10[%add3A_36, %dma_start3A] : memref<10240x128xf32, #tpu.memory_space<vmem_shared>> -> memref<128x128xf32, #tpu.memory_space<vmem_shared>>
      %dma_start3A_50 = arith.constant 0 : i32
      %dma_start3A_51 = tpu.memref_slice %arg10[%add3A_36, %dma_start3A_50] : memref<10240x128xf32, #tpu.memory_space<vmem_shared>> -> memref<128x128xf32, #tpu.memory_space<vmem_shared>>
      tpu.enqueue_dma source(%dma_start3A_51 : memref<128x128xf32, #tpu.memory_space<vmem_shared>>) target(%arg9 : memref<128x128xf32, #tpu.memory_space<vmem>>) target_semaphore(%run_scoped3A : memref<!tpu.dma_semaphore, #tpu.memory_space<semaphore_mem>>)
      %dma_wait3A = arith.constant 0 : i32
      %dma_wait3A_52 = tpu.memref_slice %arg10[%add3A_36, %dma_wait3A] : memref<10240x128xf32, #tpu.memory_space<vmem_shared>> -> memref<128x128xf32, #tpu.memory_space<vmem_shared>>
      %dma_wait3A_53 = arith.constant 0 : i32
      %dma_wait3A_54 = tpu.memref_slice %arg10[%add3A_36, %dma_wait3A_53] : memref<10240x128xf32, #tpu.memory_space<vmem_shared>> -> memref<128x128xf32, #tpu.memory_space<vmem_shared>>
      tpu.wait_dma2 semaphore(%run_scoped3A : memref<!tpu.dma_semaphore, #tpu.memory_space<semaphore_mem>>) src(%dma_wait3A_54 : memref<128x128xf32, #tpu.memory_space<vmem_shared>>) dst(%arg9 : memref<128x128xf32, #tpu.memory_space<vmem>>)
      tpu.yield
    }) : () -> ()
    "tpu.region"() ({
      %run_scoped3A = tpu.sem_alloc : memref<!tpu.dma_semaphore, #tpu.memory_space<semaphore_mem>>
      %dma_start3A = arith.constant 0 : i32
      %dma_start3A_49 = tpu.memref_slice %arg6[%arg0, %add3A_36, %dma_start3A] : memref<2x10240x128xf32, #tpu.memory_space<hbm>> -> memref<1x128x128xf32, #tpu.memory_space<hbm>>
      %dma_start3A_50 = tpu.memref_squeeze %dma_start3A_49 : memref<1x128x128xf32, #tpu.memory_space<hbm>> -> memref<128x128xf32, #tpu.memory_space<hbm>>
      %dma_start3A_51 = arith.constant 0 : i32
      %dma_start3A_52 = tpu.memref_slice %arg6[%arg0, %add3A_36, %dma_start3A_51] : memref<2x10240x128xf32, #tpu.memory_space<hbm>> -> memref<1x128x128xf32, #tpu.memory_space<hbm>>
      %dma_start3A_53 = tpu.memref_squeeze %dma_start3A_52 : memref<1x128x128xf32, #tpu.memory_space<hbm>> -> memref<128x128xf32, #tpu.memory_space<hbm>>
      tpu.enqueue_dma source(%arg9 : memref<128x128xf32, #tpu.memory_space<vmem>>) target(%dma_start3A_53 : memref<128x128xf32, #tpu.memory_space<hbm>>) target_semaphore(%run_scoped3A : memref<!tpu.dma_semaphore, #tpu.memory_space<semaphore_mem>>)
      %dma_wait3A = arith.constant 0 : i32
      %dma_wait3A_54 = tpu.memref_slice %arg6[%arg0, %add3A_36, %dma_wait3A] : memref<2x10240x128xf32, #tpu.memory_space<hbm>> -> memref<1x128x128xf32, #tpu.memory_space<hbm>>
      %dma_wait3A_55 = tpu.memref_squeeze %dma_wait3A_54 : memref<1x128x128xf32, #tpu.memory_space<hbm>> -> memref<128x128xf32, #tpu.memory_space<hbm>>
      %dma_wait3A_56 = arith.constant 0 : i32
      %dma_wait3A_57 = tpu.memref_slice %arg6[%arg0, %add3A_36, %dma_wait3A_56] : memref<2x10240x128xf32, #tpu.memory_space<hbm>> -> memref<1x128x128xf32, #tpu.memory_space<hbm>>
      %dma_wait3A_58 = tpu.memref_squeeze %dma_wait3A_57 : memref<1x128x128xf32, #tpu.memory_space<hbm>> -> memref<128x128xf32, #tpu.memory_space<hbm>>
      tpu.wait_dma2 semaphore(%run_scoped3A : memref<!tpu.dma_semaphore, #tpu.memory_space<semaphore_mem>>) src(%arg9 : memref<128x128xf32, #tpu.memory_space<vmem>>) dst(%dma_wait3A_58 : memref<128x128xf32, #tpu.memory_space<hbm>>)
      tpu.yield
    }) : () -> ()
    %mul3A_37 = arith.constant 640 : i32
    %mul3A_38 = arith.muli %arg1, %mul3A_37 : i32
    %add3A_39 = arith.constant 256 : i32
    %add3A_40 = arith.addi %mul3A_38, %add3A_39 : i32
    "tpu.region"() ({
      %run_scoped3A = tpu.sem_alloc : memref<!tpu.dma_semaphore, #tpu.memory_space<semaphore_mem>>
      %dma_start3A = arith.constant 0 : i32
      %dma_start3A_49 = tpu.memref_slice %arg10[%add3A_40, %dma_start3A] : memref<10240x128xf32, #tpu.memory_space<vmem_shared>> -> memref<128x128xf32, #tpu.memory_space<vmem_shared>>
      %dma_start3A_50 = arith.constant 0 : i32
      %dma_start3A_51 = tpu.memref_slice %arg10[%add3A_40, %dma_start3A_50] : memref<10240x128xf32, #tpu.memory_space<vmem_shared>> -> memref<128x128xf32, #tpu.memory_space<vmem_shared>>
      tpu.enqueue_dma source(%dma_start3A_51 : memref<128x128xf32, #tpu.memory_space<vmem_shared>>) target(%arg9 : memref<128x128xf32, #tpu.memory_space<vmem>>) target_semaphore(%run_scoped3A : memref<!tpu.dma_semaphore, #tpu.memory_space<semaphore_mem>>)
      %dma_wait3A = arith.constant 0 : i32
      %dma_wait3A_52 = tpu.memref_slice %arg10[%add3A_40, %dma_wait3A] : memref<10240x128xf32, #tpu.memory_space<vmem_shared>> -> memref<128x128xf32, #tpu.memory_space<vmem_shared>>
      %dma_wait3A_53 = arith.constant 0 : i32
      %dma_wait3A_54 = tpu.memref_slice %arg10[%add3A_40, %dma_wait3A_53] : memref<10240x128xf32, #tpu.memory_space<vmem_shared>> -> memref<128x128xf32, #tpu.memory_space<vmem_shared>>
      tpu.wait_dma2 semaphore(%run_scoped3A : memref<!tpu.dma_semaphore, #tpu.memory_space<semaphore_mem>>) src(%dma_wait3A_54 : memref<128x128xf32, #tpu.memory_space<vmem_shared>>) dst(%arg9 : memref<128x128xf32, #tpu.memory_space<vmem>>)
      tpu.yield
    }) : () -> ()
    "tpu.region"() ({
      %run_scoped3A = tpu.sem_alloc : memref<!tpu.dma_semaphore, #tpu.memory_space<semaphore_mem>>
      %dma_start3A = arith.constant 0 : i32
      %dma_start3A_49 = tpu.memref_slice %arg6[%arg0, %add3A_40, %dma_start3A] : memref<2x10240x128xf32, #tpu.memory_space<hbm>> -> memref<1x128x128xf32, #tpu.memory_space<hbm>>
      %dma_start3A_50 = tpu.memref_squeeze %dma_start3A_49 : memref<1x128x128xf32, #tpu.memory_space<hbm>> -> memref<128x128xf32, #tpu.memory_space<hbm>>
      %dma_start3A_51 = arith.constant 0 : i32
      %dma_start3A_52 = tpu.memref_slice %arg6[%arg0, %add3A_40, %dma_start3A_51] : memref<2x10240x128xf32, #tpu.memory_space<hbm>> -> memref<1x128x128xf32, #tpu.memory_space<hbm>>
      %dma_start3A_53 = tpu.memref_squeeze %dma_start3A_52 : memref<1x128x128xf32, #tpu.memory_space<hbm>> -> memref<128x128xf32, #tpu.memory_space<hbm>>
      tpu.enqueue_dma source(%arg9 : memref<128x128xf32, #tpu.memory_space<vmem>>) target(%dma_start3A_53 : memref<128x128xf32, #tpu.memory_space<hbm>>) target_semaphore(%run_scoped3A : memref<!tpu.dma_semaphore, #tpu.memory_space<semaphore_mem>>)
      %dma_wait3A = arith.constant 0 : i32
      %dma_wait3A_54 = tpu.memref_slice %arg6[%arg0, %add3A_40, %dma_wait3A] : memref<2x10240x128xf32, #tpu.memory_space<hbm>> -> memref<1x128x128xf32, #tpu.memory_space<hbm>>
      %dma_wait3A_55 = tpu.memref_squeeze %dma_wait3A_54 : memref<1x128x128xf32, #tpu.memory_space<hbm>> -> memref<128x128xf32, #tpu.memory_space<hbm>>
      %dma_wait3A_56 = arith.constant 0 : i32
      %dma_wait3A_57 = tpu.memref_slice %arg6[%arg0, %add3A_40, %dma_wait3A_56] : memref<2x10240x128xf32, #tpu.memory_space<hbm>> -> memref<1x128x128xf32, #tpu.memory_space<hbm>>
      %dma_wait3A_58 = tpu.memref_squeeze %dma_wait3A_57 : memref<1x128x128xf32, #tpu.memory_space<hbm>> -> memref<128x128xf32, #tpu.memory_space<hbm>>
      tpu.wait_dma2 semaphore(%run_scoped3A : memref<!tpu.dma_semaphore, #tpu.memory_space<semaphore_mem>>) src(%arg9 : memref<128x128xf32, #tpu.memory_space<vmem>>) dst(%dma_wait3A_58 : memref<128x128xf32, #tpu.memory_space<hbm>>)
      tpu.yield
    }) : () -> ()
    %mul3A_41 = arith.constant 640 : i32
    %mul3A_42 = arith.muli %arg1, %mul3A_41 : i32
    %add3A_43 = arith.constant 384 : i32
    %add3A_44 = arith.addi %mul3A_42, %add3A_43 : i32
    "tpu.region"() ({
      %run_scoped3A = tpu.sem_alloc : memref<!tpu.dma_semaphore, #tpu.memory_space<semaphore_mem>>
      %dma_start3A = arith.constant 0 : i32
      %dma_start3A_49 = tpu.memref_slice %arg10[%add3A_44, %dma_start3A] : memref<10240x128xf32, #tpu.memory_space<vmem_shared>> -> memref<128x128xf32, #tpu.memory_space<vmem_shared>>
      %dma_start3A_50 = arith.constant 0 : i32
      %dma_start3A_51 = tpu.memref_slice %arg10[%add3A_44, %dma_start3A_50] : memref<10240x128xf32, #tpu.memory_space<vmem_shared>> -> memref<128x128xf32, #tpu.memory_space<vmem_shared>>
      tpu.enqueue_dma source(%dma_start3A_51 : memref<128x128xf32, #tpu.memory_space<vmem_shared>>) target(%arg9 : memref<128x128xf32, #tpu.memory_space<vmem>>) target_semaphore(%run_scoped3A : memref<!tpu.dma_semaphore, #tpu.memory_space<semaphore_mem>>)
      %dma_wait3A = arith.constant 0 : i32
      %dma_wait3A_52 = tpu.memref_slice %arg10[%add3A_44, %dma_wait3A] : memref<10240x128xf32, #tpu.memory_space<vmem_shared>> -> memref<128x128xf32, #tpu.memory_space<vmem_shared>>
      %dma_wait3A_53 = arith.constant 0 : i32
      %dma_wait3A_54 = tpu.memref_slice %arg10[%add3A_44, %dma_wait3A_53] : memref<10240x128xf32, #tpu.memory_space<vmem_shared>> -> memref<128x128xf32, #tpu.memory_space<vmem_shared>>
      tpu.wait_dma2 semaphore(%run_scoped3A : memref<!tpu.dma_semaphore, #tpu.memory_space<semaphore_mem>>) src(%dma_wait3A_54 : memref<128x128xf32, #tpu.memory_space<vmem_shared>>) dst(%arg9 : memref<128x128xf32, #tpu.memory_space<vmem>>)
      tpu.yield
    }) : () -> ()
    "tpu.region"() ({
      %run_scoped3A = tpu.sem_alloc : memref<!tpu.dma_semaphore, #tpu.memory_space<semaphore_mem>>
      %dma_start3A = arith.constant 0 : i32
      %dma_start3A_49 = tpu.memref_slice %arg6[%arg0, %add3A_44, %dma_start3A] : memref<2x10240x128xf32, #tpu.memory_space<hbm>> -> memref<1x128x128xf32, #tpu.memory_space<hbm>>
      %dma_start3A_50 = tpu.memref_squeeze %dma_start3A_49 : memref<1x128x128xf32, #tpu.memory_space<hbm>> -> memref<128x128xf32, #tpu.memory_space<hbm>>
      %dma_start3A_51 = arith.constant 0 : i32
      %dma_start3A_52 = tpu.memref_slice %arg6[%arg0, %add3A_44, %dma_start3A_51] : memref<2x10240x128xf32, #tpu.memory_space<hbm>> -> memref<1x128x128xf32, #tpu.memory_space<hbm>>
      %dma_start3A_53 = tpu.memref_squeeze %dma_start3A_52 : memref<1x128x128xf32, #tpu.memory_space<hbm>> -> memref<128x128xf32, #tpu.memory_space<hbm>>
      tpu.enqueue_dma source(%arg9 : memref<128x128xf32, #tpu.memory_space<vmem>>) target(%dma_start3A_53 : memref<128x128xf32, #tpu.memory_space<hbm>>) target_semaphore(%run_scoped3A : memref<!tpu.dma_semaphore, #tpu.memory_space<semaphore_mem>>)
      %dma_wait3A = arith.constant 0 : i32
      %dma_wait3A_54 = tpu.memref_slice %arg6[%arg0, %add3A_44, %dma_wait3A] : memref<2x10240x128xf32, #tpu.memory_space<hbm>> -> memref<1x128x128xf32, #tpu.memory_space<hbm>>
      %dma_wait3A_55 = tpu.memref_squeeze %dma_wait3A_54 : memref<1x128x128xf32, #tpu.memory_space<hbm>> -> memref<128x128xf32, #tpu.memory_space<hbm>>
      %dma_wait3A_56 = arith.constant 0 : i32
      %dma_wait3A_57 = tpu.memref_slice %arg6[%arg0, %add3A_44, %dma_wait3A_56] : memref<2x10240x128xf32, #tpu.memory_space<hbm>> -> memref<1x128x128xf32, #tpu.memory_space<hbm>>
      %dma_wait3A_58 = tpu.memref_squeeze %dma_wait3A_57 : memref<1x128x128xf32, #tpu.memory_space<hbm>> -> memref<128x128xf32, #tpu.memory_space<hbm>>
      tpu.wait_dma2 semaphore(%run_scoped3A : memref<!tpu.dma_semaphore, #tpu.memory_space<semaphore_mem>>) src(%arg9 : memref<128x128xf32, #tpu.memory_space<vmem>>) dst(%dma_wait3A_58 : memref<128x128xf32, #tpu.memory_space<hbm>>)
      tpu.yield
    }) : () -> ()
    %mul3A_45 = arith.constant 640 : i32
    %mul3A_46 = arith.muli %arg1, %mul3A_45 : i32
    %add3A_47 = arith.constant 512 : i32
    %add3A_48 = arith.addi %mul3A_46, %add3A_47 : i32
    "tpu.region"() ({
      %run_scoped3A = tpu.sem_alloc : memref<!tpu.dma_semaphore, #tpu.memory_space<semaphore_mem>>
      %dma_start3A = arith.constant 0 : i32
      %dma_start3A_49 = tpu.memref_slice %arg10[%add3A_48, %dma_start3A] : memref<10240x128xf32, #tpu.memory_space<vmem_shared>> -> memref<128x128xf32, #tpu.memory_space<vmem_shared>>
      %dma_start3A_50 = arith.constant 0 : i32
      %dma_start3A_51 = tpu.memref_slice %arg10[%add3A_48, %dma_start3A_50] : memref<10240x128xf32, #tpu.memory_space<vmem_shared>> -> memref<128x128xf32, #tpu.memory_space<vmem_shared>>
      tpu.enqueue_dma source(%dma_start3A_51 : memref<128x128xf32, #tpu.memory_space<vmem_shared>>) target(%arg9 : memref<128x128xf32, #tpu.memory_space<vmem>>) target_semaphore(%run_scoped3A : memref<!tpu.dma_semaphore, #tpu.memory_space<semaphore_mem>>)
      %dma_wait3A = arith.constant 0 : i32
      %dma_wait3A_52 = tpu.memref_slice %arg10[%add3A_48, %dma_wait3A] : memref<10240x128xf32, #tpu.memory_space<vmem_shared>> -> memref<128x128xf32, #tpu.memory_space<vmem_shared>>
      %dma_wait3A_53 = arith.constant 0 : i32
      %dma_wait3A_54 = tpu.memref_slice %arg10[%add3A_48, %dma_wait3A_53] : memref<10240x128xf32, #tpu.memory_space<vmem_shared>> -> memref<128x128xf32, #tpu.memory_space<vmem_shared>>
      tpu.wait_dma2 semaphore(%run_scoped3A : memref<!tpu.dma_semaphore, #tpu.memory_space<semaphore_mem>>) src(%dma_wait3A_54 : memref<128x128xf32, #tpu.memory_space<vmem_shared>>) dst(%arg9 : memref<128x128xf32, #tpu.memory_space<vmem>>)
      tpu.yield
    }) : () -> ()
    "tpu.region"() ({
      %run_scoped3A = tpu.sem_alloc : memref<!tpu.dma_semaphore, #tpu.memory_space<semaphore_mem>>
      %dma_start3A = arith.constant 0 : i32
      %dma_start3A_49 = tpu.memref_slice %arg6[%arg0, %add3A_48, %dma_start3A] : memref<2x10240x128xf32, #tpu.memory_space<hbm>> -> memref<1x128x128xf32, #tpu.memory_space<hbm>>
      %dma_start3A_50 = tpu.memref_squeeze %dma_start3A_49 : memref<1x128x128xf32, #tpu.memory_space<hbm>> -> memref<128x128xf32, #tpu.memory_space<hbm>>
      %dma_start3A_51 = arith.constant 0 : i32
      %dma_start3A_52 = tpu.memref_slice %arg6[%arg0, %add3A_48, %dma_start3A_51] : memref<2x10240x128xf32, #tpu.memory_space<hbm>> -> memref<1x128x128xf32, #tpu.memory_space<hbm>>
      %dma_start3A_53 = tpu.memref_squeeze %dma_start3A_52 : memref<1x128x128xf32, #tpu.memory_space<hbm>> -> memref<128x128xf32, #tpu.memory_space<hbm>>
      tpu.enqueue_dma source(%arg9 : memref<128x128xf32, #tpu.memory_space<vmem>>) target(%dma_start3A_53 : memref<128x128xf32, #tpu.memory_space<hbm>>) target_semaphore(%run_scoped3A : memref<!tpu.dma_semaphore, #tpu.memory_space<semaphore_mem>>)
      %dma_wait3A = arith.constant 0 : i32
      %dma_wait3A_54 = tpu.memref_slice %arg6[%arg0, %add3A_48, %dma_wait3A] : memref<2x10240x128xf32, #tpu.memory_space<hbm>> -> memref<1x128x128xf32, #tpu.memory_space<hbm>>
      %dma_wait3A_55 = tpu.memref_squeeze %dma_wait3A_54 : memref<1x128x128xf32, #tpu.memory_space<hbm>> -> memref<128x128xf32, #tpu.memory_space<hbm>>
      %dma_wait3A_56 = arith.constant 0 : i32
      %dma_wait3A_57 = tpu.memref_slice %arg6[%arg0, %add3A_48, %dma_wait3A_56] : memref<2x10240x128xf32, #tpu.memory_space<hbm>> -> memref<1x128x128xf32, #tpu.memory_space<hbm>>
      %dma_wait3A_58 = tpu.memref_squeeze %dma_wait3A_57 : memref<1x128x128xf32, #tpu.memory_space<hbm>> -> memref<128x128xf32, #tpu.memory_space<hbm>>
      tpu.wait_dma2 semaphore(%run_scoped3A : memref<!tpu.dma_semaphore, #tpu.memory_space<semaphore_mem>>) src(%arg9 : memref<128x128xf32, #tpu.memory_space<vmem>>) dst(%dma_wait3A_58 : memref<128x128xf32, #tpu.memory_space<hbm>>)
      tpu.yield
    }) : () -> ()
    return
  }
}

#map = affine_map<(d0, d1) -> (0)>
#map1 = affine_map<(d0, d1) -> (0, 0)>
#map2 = affine_map<(d0, d1) -> (0, 0, 0)>
module attributes {stable_mosaic.version = 14 : i64} {
  func.func @deg_pass(%arg0: i32, %arg1: i32, %arg2: memref<323584xi32, #tpu.memory_space<hbm>>, %arg3: memref<128x128xf32, #tpu.memory_space<hbm>>, %arg4: memref<128x128xf32, #tpu.memory_space<hbm>>, %arg5: memref<2x10240x128xf32, #tpu.memory_space<hbm>>, %arg6: memref<128xi32, #tpu.memory_space<vmem>>, %arg7: memref<128x128xf32, #tpu.memory_space<vmem>>, %arg8: memref<10240x128xf32, #tpu.memory_space<vmem_shared>>) attributes {dimension_semantics = [#tpu.dimension_semantics<core_parallel>, #tpu.dimension_semantics<subcore_parallel>], iteration_bounds = array<i64: 2, 16>, scalar_prefetch = 0 : i64, scratch_operands = 3 : i64, tpu.core_type = #tpu.core_type<sc_vector_subcore>, window_params = [{transform_indices = #map}, {transform_indices = #map1}, {transform_indices = #map1}, {transform_indices = #map2}]} {
    %mul3A = arith.constant 2 : i32
    %mul3A_0 = arith.muli %arg1, %mul3A : i32
    %add3A = arith.addi %mul3A_0, %arg0 : i32
    "tpu.region"() ({
      %run_scoped3A = tpu.sem_alloc : memref<!tpu.dma_semaphore, #tpu.memory_space<semaphore_mem>>
      tpu.enqueue_dma source(%arg3 : memref<128x128xf32, #tpu.memory_space<hbm>>) target(%arg7 : memref<128x128xf32, #tpu.memory_space<vmem>>) target_semaphore(%run_scoped3A : memref<!tpu.dma_semaphore, #tpu.memory_space<semaphore_mem>>)
      tpu.wait_dma2 semaphore(%run_scoped3A : memref<!tpu.dma_semaphore, #tpu.memory_space<semaphore_mem>>) src(%arg3 : memref<128x128xf32, #tpu.memory_space<hbm>>) dst(%arg7 : memref<128x128xf32, #tpu.memory_space<vmem>>)
      tpu.yield
    }) : () -> ()
    %mul3A_1 = arith.constant 640 : i32
    %mul3A_2 = arith.muli %arg1, %mul3A_1 : i32
    %add3A_3 = arith.constant 0 : i32
    %add3A_4 = arith.addi %mul3A_2, %add3A_3 : i32
    "tpu.region"() ({
      %run_scoped3A = tpu.sem_alloc : memref<!tpu.dma_semaphore, #tpu.memory_space<semaphore_mem>>
      %dma_start3A = arith.constant 0 : i32
      %dma_start3A_49 = tpu.memref_slice %arg8[%add3A_4, %dma_start3A] : memref<10240x128xf32, #tpu.memory_space<vmem_shared>> -> memref<128x128xf32, #tpu.memory_space<vmem_shared>>
      %dma_start3A_50 = arith.constant 0 : i32
      %dma_start3A_51 = tpu.memref_slice %arg8[%add3A_4, %dma_start3A_50] : memref<10240x128xf32, #tpu.memory_space<vmem_shared>> -> memref<128x128xf32, #tpu.memory_space<vmem_shared>>
      tpu.enqueue_dma source(%arg7 : memref<128x128xf32, #tpu.memory_space<vmem>>) target(%dma_start3A_51 : memref<128x128xf32, #tpu.memory_space<vmem_shared>>) target_semaphore(%run_scoped3A : memref<!tpu.dma_semaphore, #tpu.memory_space<semaphore_mem>>)
      %dma_wait3A = arith.constant 0 : i32
      %dma_wait3A_52 = tpu.memref_slice %arg8[%add3A_4, %dma_wait3A] : memref<10240x128xf32, #tpu.memory_space<vmem_shared>> -> memref<128x128xf32, #tpu.memory_space<vmem_shared>>
      %dma_wait3A_53 = arith.constant 0 : i32
      %dma_wait3A_54 = tpu.memref_slice %arg8[%add3A_4, %dma_wait3A_53] : memref<10240x128xf32, #tpu.memory_space<vmem_shared>> -> memref<128x128xf32, #tpu.memory_space<vmem_shared>>
      tpu.wait_dma2 semaphore(%run_scoped3A : memref<!tpu.dma_semaphore, #tpu.memory_space<semaphore_mem>>) src(%arg7 : memref<128x128xf32, #tpu.memory_space<vmem>>) dst(%dma_wait3A_54 : memref<128x128xf32, #tpu.memory_space<vmem_shared>>)
      tpu.yield
    }) : () -> ()
    %mul3A_5 = arith.constant 640 : i32
    %mul3A_6 = arith.muli %arg1, %mul3A_5 : i32
    %add3A_7 = arith.constant 128 : i32
    %add3A_8 = arith.addi %mul3A_6, %add3A_7 : i32
    "tpu.region"() ({
      %run_scoped3A = tpu.sem_alloc : memref<!tpu.dma_semaphore, #tpu.memory_space<semaphore_mem>>
      %dma_start3A = arith.constant 0 : i32
      %dma_start3A_49 = tpu.memref_slice %arg8[%add3A_8, %dma_start3A] : memref<10240x128xf32, #tpu.memory_space<vmem_shared>> -> memref<128x128xf32, #tpu.memory_space<vmem_shared>>
      %dma_start3A_50 = arith.constant 0 : i32
      %dma_start3A_51 = tpu.memref_slice %arg8[%add3A_8, %dma_start3A_50] : memref<10240x128xf32, #tpu.memory_space<vmem_shared>> -> memref<128x128xf32, #tpu.memory_space<vmem_shared>>
      tpu.enqueue_dma source(%arg7 : memref<128x128xf32, #tpu.memory_space<vmem>>) target(%dma_start3A_51 : memref<128x128xf32, #tpu.memory_space<vmem_shared>>) target_semaphore(%run_scoped3A : memref<!tpu.dma_semaphore, #tpu.memory_space<semaphore_mem>>)
      %dma_wait3A = arith.constant 0 : i32
      %dma_wait3A_52 = tpu.memref_slice %arg8[%add3A_8, %dma_wait3A] : memref<10240x128xf32, #tpu.memory_space<vmem_shared>> -> memref<128x128xf32, #tpu.memory_space<vmem_shared>>
      %dma_wait3A_53 = arith.constant 0 : i32
      %dma_wait3A_54 = tpu.memref_slice %arg8[%add3A_8, %dma_wait3A_53] : memref<10240x128xf32, #tpu.memory_space<vmem_shared>> -> memref<128x128xf32, #tpu.memory_space<vmem_shared>>
      tpu.wait_dma2 semaphore(%run_scoped3A : memref<!tpu.dma_semaphore, #tpu.memory_space<semaphore_mem>>) src(%arg7 : memref<128x128xf32, #tpu.memory_space<vmem>>) dst(%dma_wait3A_54 : memref<128x128xf32, #tpu.memory_space<vmem_shared>>)
      tpu.yield
    }) : () -> ()
    %mul3A_9 = arith.constant 640 : i32
    %mul3A_10 = arith.muli %arg1, %mul3A_9 : i32
    %add3A_11 = arith.constant 256 : i32
    %add3A_12 = arith.addi %mul3A_10, %add3A_11 : i32
    "tpu.region"() ({
      %run_scoped3A = tpu.sem_alloc : memref<!tpu.dma_semaphore, #tpu.memory_space<semaphore_mem>>
      %dma_start3A = arith.constant 0 : i32
      %dma_start3A_49 = tpu.memref_slice %arg8[%add3A_12, %dma_start3A] : memref<10240x128xf32, #tpu.memory_space<vmem_shared>> -> memref<128x128xf32, #tpu.memory_space<vmem_shared>>
      %dma_start3A_50 = arith.constant 0 : i32
      %dma_start3A_51 = tpu.memref_slice %arg8[%add3A_12, %dma_start3A_50] : memref<10240x128xf32, #tpu.memory_space<vmem_shared>> -> memref<128x128xf32, #tpu.memory_space<vmem_shared>>
      tpu.enqueue_dma source(%arg7 : memref<128x128xf32, #tpu.memory_space<vmem>>) target(%dma_start3A_51 : memref<128x128xf32, #tpu.memory_space<vmem_shared>>) target_semaphore(%run_scoped3A : memref<!tpu.dma_semaphore, #tpu.memory_space<semaphore_mem>>)
      %dma_wait3A = arith.constant 0 : i32
      %dma_wait3A_52 = tpu.memref_slice %arg8[%add3A_12, %dma_wait3A] : memref<10240x128xf32, #tpu.memory_space<vmem_shared>> -> memref<128x128xf32, #tpu.memory_space<vmem_shared>>
      %dma_wait3A_53 = arith.constant 0 : i32
      %dma_wait3A_54 = tpu.memref_slice %arg8[%add3A_12, %dma_wait3A_53] : memref<10240x128xf32, #tpu.memory_space<vmem_shared>> -> memref<128x128xf32, #tpu.memory_space<vmem_shared>>
      tpu.wait_dma2 semaphore(%run_scoped3A : memref<!tpu.dma_semaphore, #tpu.memory_space<semaphore_mem>>) src(%arg7 : memref<128x128xf32, #tpu.memory_space<vmem>>) dst(%dma_wait3A_54 : memref<128x128xf32, #tpu.memory_space<vmem_shared>>)
      tpu.yield
    }) : () -> ()
    %mul3A_13 = arith.constant 640 : i32
    %mul3A_14 = arith.muli %arg1, %mul3A_13 : i32
    %add3A_15 = arith.constant 384 : i32
    %add3A_16 = arith.addi %mul3A_14, %add3A_15 : i32
    "tpu.region"() ({
      %run_scoped3A = tpu.sem_alloc : memref<!tpu.dma_semaphore, #tpu.memory_space<semaphore_mem>>
      %dma_start3A = arith.constant 0 : i32
      %dma_start3A_49 = tpu.memref_slice %arg8[%add3A_16, %dma_start3A] : memref<10240x128xf32, #tpu.memory_space<vmem_shared>> -> memref<128x128xf32, #tpu.memory_space<vmem_shared>>
      %dma_start3A_50 = arith.constant 0 : i32
      %dma_start3A_51 = tpu.memref_slice %arg8[%add3A_16, %dma_start3A_50] : memref<10240x128xf32, #tpu.memory_space<vmem_shared>> -> memref<128x128xf32, #tpu.memory_space<vmem_shared>>
      tpu.enqueue_dma source(%arg7 : memref<128x128xf32, #tpu.memory_space<vmem>>) target(%dma_start3A_51 : memref<128x128xf32, #tpu.memory_space<vmem_shared>>) target_semaphore(%run_scoped3A : memref<!tpu.dma_semaphore, #tpu.memory_space<semaphore_mem>>)
      %dma_wait3A = arith.constant 0 : i32
      %dma_wait3A_52 = tpu.memref_slice %arg8[%add3A_16, %dma_wait3A] : memref<10240x128xf32, #tpu.memory_space<vmem_shared>> -> memref<128x128xf32, #tpu.memory_space<vmem_shared>>
      %dma_wait3A_53 = arith.constant 0 : i32
      %dma_wait3A_54 = tpu.memref_slice %arg8[%add3A_16, %dma_wait3A_53] : memref<10240x128xf32, #tpu.memory_space<vmem_shared>> -> memref<128x128xf32, #tpu.memory_space<vmem_shared>>
      tpu.wait_dma2 semaphore(%run_scoped3A : memref<!tpu.dma_semaphore, #tpu.memory_space<semaphore_mem>>) src(%arg7 : memref<128x128xf32, #tpu.memory_space<vmem>>) dst(%dma_wait3A_54 : memref<128x128xf32, #tpu.memory_space<vmem_shared>>)
      tpu.yield
    }) : () -> ()
    %mul3A_17 = arith.constant 640 : i32
    %mul3A_18 = arith.muli %arg1, %mul3A_17 : i32
    %add3A_19 = arith.constant 512 : i32
    %add3A_20 = arith.addi %mul3A_18, %add3A_19 : i32
    "tpu.region"() ({
      %run_scoped3A = tpu.sem_alloc : memref<!tpu.dma_semaphore, #tpu.memory_space<semaphore_mem>>
      %dma_start3A = arith.constant 0 : i32
      %dma_start3A_49 = tpu.memref_slice %arg8[%add3A_20, %dma_start3A] : memref<10240x128xf32, #tpu.memory_space<vmem_shared>> -> memref<128x128xf32, #tpu.memory_space<vmem_shared>>
      %dma_start3A_50 = arith.constant 0 : i32
      %dma_start3A_51 = tpu.memref_slice %arg8[%add3A_20, %dma_start3A_50] : memref<10240x128xf32, #tpu.memory_space<vmem_shared>> -> memref<128x128xf32, #tpu.memory_space<vmem_shared>>
      tpu.enqueue_dma source(%arg7 : memref<128x128xf32, #tpu.memory_space<vmem>>) target(%dma_start3A_51 : memref<128x128xf32, #tpu.memory_space<vmem_shared>>) target_semaphore(%run_scoped3A : memref<!tpu.dma_semaphore, #tpu.memory_space<semaphore_mem>>)
      %dma_wait3A = arith.constant 0 : i32
      %dma_wait3A_52 = tpu.memref_slice %arg8[%add3A_20, %dma_wait3A] : memref<10240x128xf32, #tpu.memory_space<vmem_shared>> -> memref<128x128xf32, #tpu.memory_space<vmem_shared>>
      %dma_wait3A_53 = arith.constant 0 : i32
      %dma_wait3A_54 = tpu.memref_slice %arg8[%add3A_20, %dma_wait3A_53] : memref<10240x128xf32, #tpu.memory_space<vmem_shared>> -> memref<128x128xf32, #tpu.memory_space<vmem_shared>>
      tpu.wait_dma2 semaphore(%run_scoped3A : memref<!tpu.dma_semaphore, #tpu.memory_space<semaphore_mem>>) src(%arg7 : memref<128x128xf32, #tpu.memory_space<vmem>>) dst(%dma_wait3A_54 : memref<128x128xf32, #tpu.memory_space<vmem_shared>>)
      tpu.yield
    }) : () -> ()
    "tpu.region"() ({
      %run_scoped3A = tpu.sem_alloc : memref<!tpu.dma_semaphore, #tpu.memory_space<semaphore_mem>>
      tpu.enqueue_dma source(%arg4 : memref<128x128xf32, #tpu.memory_space<hbm>>) target(%arg7 : memref<128x128xf32, #tpu.memory_space<vmem>>) target_semaphore(%run_scoped3A : memref<!tpu.dma_semaphore, #tpu.memory_space<semaphore_mem>>)
      tpu.wait_dma2 semaphore(%run_scoped3A : memref<!tpu.dma_semaphore, #tpu.memory_space<semaphore_mem>>) src(%arg4 : memref<128x128xf32, #tpu.memory_space<hbm>>) dst(%arg7 : memref<128x128xf32, #tpu.memory_space<vmem>>)
      tpu.yield
    }) : () -> ()
    %barrier3A = arith.constant 0 : index
    tpu.barrier barrier_id(%barrier3A)
    %mul3A_21 = arith.constant 10112 : i32
    %mul3A_22 = arith.muli %add3A, %mul3A_21 : i32
    %scan3A = arith.constant 0 : i32
    %scan3A_23 = arith.constant 0 : i32
    %scan3A_24 = arith.constant 79 : i32
    %scan3A_25 = arith.addi %scan3A_23, %scan3A_24 : i32
    %scan3A_26 = arith.constant 1 : i32
    scf.for %scan3A_49 = %scan3A_23 to %scan3A_25 step %scan3A_26  : i32 {
      %mul3A_50 = arith.constant 128 : i32
      %mul3A_51 = arith.muli %scan3A_49, %mul3A_50 : i32
      %add3A_52 = arith.addi %mul3A_22, %mul3A_51 : i32
      "tpu.region"() ({
        %run_scoped3A = tpu.sem_alloc : memref<!tpu.dma_semaphore, #tpu.memory_space<semaphore_mem>>
        %dma_start3A = tpu.memref_slice %arg2[%add3A_52] : memref<323584xi32, #tpu.memory_space<hbm>> -> memref<128xi32, #tpu.memory_space<hbm>>
        %dma_start3A_53 = tpu.memref_slice %arg2[%add3A_52] : memref<323584xi32, #tpu.memory_space<hbm>> -> memref<128xi32, #tpu.memory_space<hbm>>
        tpu.enqueue_dma source(%dma_start3A_53 : memref<128xi32, #tpu.memory_space<hbm>>) target(%arg6 : memref<128xi32, #tpu.memory_space<vmem>>) target_semaphore(%run_scoped3A : memref<!tpu.dma_semaphore, #tpu.memory_space<semaphore_mem>>)
        %dma_wait3A = tpu.memref_slice %arg2[%add3A_52] : memref<323584xi32, #tpu.memory_space<hbm>> -> memref<128xi32, #tpu.memory_space<hbm>>
        %dma_wait3A_54 = tpu.memref_slice %arg2[%add3A_52] : memref<323584xi32, #tpu.memory_space<hbm>> -> memref<128xi32, #tpu.memory_space<hbm>>
        tpu.wait_dma2 semaphore(%run_scoped3A : memref<!tpu.dma_semaphore, #tpu.memory_space<semaphore_mem>>) src(%dma_wait3A_54 : memref<128xi32, #tpu.memory_space<hbm>>) dst(%arg6 : memref<128xi32, #tpu.memory_space<vmem>>)
        tpu.yield
      }) : () -> ()
      "tpu.region"() ({
        %run_scoped3A = tpu.sem_alloc : memref<!tpu.dma_semaphore, #tpu.memory_space<semaphore_mem>>
        %dma_start3A = arith.constant 0 : i32
        %dma_start3A_53 = arith.constant 0 : i32
        %dma_start3A_54 = tpu.memref_slice %arg8[%dma_start3A, %dma_start3A_53] : memref<10240x128xf32, #tpu.memory_space<vmem_shared>> -> memref<10240x128xf32, #tpu.memory_space<vmem_shared>>
        tpu.enqueue_indirect_dma source(%arg7 : memref<128x128xf32, #tpu.memory_space<vmem>>) target(%dma_start3A_54 : memref<10240x128xf32, #tpu.memory_space<vmem_shared>>) offsets(%arg6 : memref<128xi32, #tpu.memory_space<vmem>>) semaphore(%run_scoped3A : memref<!tpu.dma_semaphore, #tpu.memory_space<semaphore_mem>>) {add = true}
        %dma_wait3A = arith.constant 0 : i32
        %dma_wait3A_55 = arith.constant 0 : i32
        %dma_wait3A_56 = tpu.memref_slice %arg8[%dma_wait3A, %dma_wait3A_55] : memref<10240x128xf32, #tpu.memory_space<vmem_shared>> -> memref<10240x128xf32, #tpu.memory_space<vmem_shared>>
        tpu.wait_indirect_dma semaphore(%run_scoped3A : memref<!tpu.dma_semaphore, #tpu.memory_space<semaphore_mem>>) src(%arg7 : memref<128x128xf32, #tpu.memory_space<vmem>>) dst(%dma_wait3A_56 : memref<10240x128xf32, #tpu.memory_space<vmem_shared>>)
        tpu.yield
      }) : () -> ()
    }
    %scan3A_27 = arith.constant 79 : i32
    %barrier3A_28 = arith.constant 0 : index
    tpu.barrier barrier_id(%barrier3A_28)
    %mul3A_29 = arith.constant 640 : i32
    %mul3A_30 = arith.muli %arg1, %mul3A_29 : i32
    %add3A_31 = arith.constant 0 : i32
    %add3A_32 = arith.addi %mul3A_30, %add3A_31 : i32
    "tpu.region"() ({
      %run_scoped3A = tpu.sem_alloc : memref<!tpu.dma_semaphore, #tpu.memory_space<semaphore_mem>>
      %dma_start3A = arith.constant 0 : i32
      %dma_start3A_49 = tpu.memref_slice %arg8[%add3A_32, %dma_start3A] : memref<10240x128xf32, #tpu.memory_space<vmem_shared>> -> memref<128x128xf32, #tpu.memory_space<vmem_shared>>
      %dma_start3A_50 = arith.constant 0 : i32
      %dma_start3A_51 = tpu.memref_slice %arg8[%add3A_32, %dma_start3A_50] : memref<10240x128xf32, #tpu.memory_space<vmem_shared>> -> memref<128x128xf32, #tpu.memory_space<vmem_shared>>
      tpu.enqueue_dma source(%dma_start3A_51 : memref<128x128xf32, #tpu.memory_space<vmem_shared>>) target(%arg7 : memref<128x128xf32, #tpu.memory_space<vmem>>) target_semaphore(%run_scoped3A : memref<!tpu.dma_semaphore, #tpu.memory_space<semaphore_mem>>)
      %dma_wait3A = arith.constant 0 : i32
      %dma_wait3A_52 = tpu.memref_slice %arg8[%add3A_32, %dma_wait3A] : memref<10240x128xf32, #tpu.memory_space<vmem_shared>> -> memref<128x128xf32, #tpu.memory_space<vmem_shared>>
      %dma_wait3A_53 = arith.constant 0 : i32
      %dma_wait3A_54 = tpu.memref_slice %arg8[%add3A_32, %dma_wait3A_53] : memref<10240x128xf32, #tpu.memory_space<vmem_shared>> -> memref<128x128xf32, #tpu.memory_space<vmem_shared>>
      tpu.wait_dma2 semaphore(%run_scoped3A : memref<!tpu.dma_semaphore, #tpu.memory_space<semaphore_mem>>) src(%dma_wait3A_54 : memref<128x128xf32, #tpu.memory_space<vmem_shared>>) dst(%arg7 : memref<128x128xf32, #tpu.memory_space<vmem>>)
      tpu.yield
    }) : () -> ()
    "tpu.region"() ({
      %run_scoped3A = tpu.sem_alloc : memref<!tpu.dma_semaphore, #tpu.memory_space<semaphore_mem>>
      %dma_start3A = arith.constant 0 : i32
      %dma_start3A_49 = tpu.memref_slice %arg5[%arg0, %add3A_32, %dma_start3A] : memref<2x10240x128xf32, #tpu.memory_space<hbm>> -> memref<1x128x128xf32, #tpu.memory_space<hbm>>
      %dma_start3A_50 = tpu.memref_squeeze %dma_start3A_49 : memref<1x128x128xf32, #tpu.memory_space<hbm>> -> memref<128x128xf32, #tpu.memory_space<hbm>>
      %dma_start3A_51 = arith.constant 0 : i32
      %dma_start3A_52 = tpu.memref_slice %arg5[%arg0, %add3A_32, %dma_start3A_51] : memref<2x10240x128xf32, #tpu.memory_space<hbm>> -> memref<1x128x128xf32, #tpu.memory_space<hbm>>
      %dma_start3A_53 = tpu.memref_squeeze %dma_start3A_52 : memref<1x128x128xf32, #tpu.memory_space<hbm>> -> memref<128x128xf32, #tpu.memory_space<hbm>>
      tpu.enqueue_dma source(%arg7 : memref<128x128xf32, #tpu.memory_space<vmem>>) target(%dma_start3A_53 : memref<128x128xf32, #tpu.memory_space<hbm>>) target_semaphore(%run_scoped3A : memref<!tpu.dma_semaphore, #tpu.memory_space<semaphore_mem>>)
      %dma_wait3A = arith.constant 0 : i32
      %dma_wait3A_54 = tpu.memref_slice %arg5[%arg0, %add3A_32, %dma_wait3A] : memref<2x10240x128xf32, #tpu.memory_space<hbm>> -> memref<1x128x128xf32, #tpu.memory_space<hbm>>
      %dma_wait3A_55 = tpu.memref_squeeze %dma_wait3A_54 : memref<1x128x128xf32, #tpu.memory_space<hbm>> -> memref<128x128xf32, #tpu.memory_space<hbm>>
      %dma_wait3A_56 = arith.constant 0 : i32
      %dma_wait3A_57 = tpu.memref_slice %arg5[%arg0, %add3A_32, %dma_wait3A_56] : memref<2x10240x128xf32, #tpu.memory_space<hbm>> -> memref<1x128x128xf32, #tpu.memory_space<hbm>>
      %dma_wait3A_58 = tpu.memref_squeeze %dma_wait3A_57 : memref<1x128x128xf32, #tpu.memory_space<hbm>> -> memref<128x128xf32, #tpu.memory_space<hbm>>
      tpu.wait_dma2 semaphore(%run_scoped3A : memref<!tpu.dma_semaphore, #tpu.memory_space<semaphore_mem>>) src(%arg7 : memref<128x128xf32, #tpu.memory_space<vmem>>) dst(%dma_wait3A_58 : memref<128x128xf32, #tpu.memory_space<hbm>>)
      tpu.yield
    }) : () -> ()
    %mul3A_33 = arith.constant 640 : i32
    %mul3A_34 = arith.muli %arg1, %mul3A_33 : i32
    %add3A_35 = arith.constant 128 : i32
    %add3A_36 = arith.addi %mul3A_34, %add3A_35 : i32
    "tpu.region"() ({
      %run_scoped3A = tpu.sem_alloc : memref<!tpu.dma_semaphore, #tpu.memory_space<semaphore_mem>>
      %dma_start3A = arith.constant 0 : i32
      %dma_start3A_49 = tpu.memref_slice %arg8[%add3A_36, %dma_start3A] : memref<10240x128xf32, #tpu.memory_space<vmem_shared>> -> memref<128x128xf32, #tpu.memory_space<vmem_shared>>
      %dma_start3A_50 = arith.constant 0 : i32
      %dma_start3A_51 = tpu.memref_slice %arg8[%add3A_36, %dma_start3A_50] : memref<10240x128xf32, #tpu.memory_space<vmem_shared>> -> memref<128x128xf32, #tpu.memory_space<vmem_shared>>
      tpu.enqueue_dma source(%dma_start3A_51 : memref<128x128xf32, #tpu.memory_space<vmem_shared>>) target(%arg7 : memref<128x128xf32, #tpu.memory_space<vmem>>) target_semaphore(%run_scoped3A : memref<!tpu.dma_semaphore, #tpu.memory_space<semaphore_mem>>)
      %dma_wait3A = arith.constant 0 : i32
      %dma_wait3A_52 = tpu.memref_slice %arg8[%add3A_36, %dma_wait3A] : memref<10240x128xf32, #tpu.memory_space<vmem_shared>> -> memref<128x128xf32, #tpu.memory_space<vmem_shared>>
      %dma_wait3A_53 = arith.constant 0 : i32
      %dma_wait3A_54 = tpu.memref_slice %arg8[%add3A_36, %dma_wait3A_53] : memref<10240x128xf32, #tpu.memory_space<vmem_shared>> -> memref<128x128xf32, #tpu.memory_space<vmem_shared>>
      tpu.wait_dma2 semaphore(%run_scoped3A : memref<!tpu.dma_semaphore, #tpu.memory_space<semaphore_mem>>) src(%dma_wait3A_54 : memref<128x128xf32, #tpu.memory_space<vmem_shared>>) dst(%arg7 : memref<128x128xf32, #tpu.memory_space<vmem>>)
      tpu.yield
    }) : () -> ()
    "tpu.region"() ({
      %run_scoped3A = tpu.sem_alloc : memref<!tpu.dma_semaphore, #tpu.memory_space<semaphore_mem>>
      %dma_start3A = arith.constant 0 : i32
      %dma_start3A_49 = tpu.memref_slice %arg5[%arg0, %add3A_36, %dma_start3A] : memref<2x10240x128xf32, #tpu.memory_space<hbm>> -> memref<1x128x128xf32, #tpu.memory_space<hbm>>
      %dma_start3A_50 = tpu.memref_squeeze %dma_start3A_49 : memref<1x128x128xf32, #tpu.memory_space<hbm>> -> memref<128x128xf32, #tpu.memory_space<hbm>>
      %dma_start3A_51 = arith.constant 0 : i32
      %dma_start3A_52 = tpu.memref_slice %arg5[%arg0, %add3A_36, %dma_start3A_51] : memref<2x10240x128xf32, #tpu.memory_space<hbm>> -> memref<1x128x128xf32, #tpu.memory_space<hbm>>
      %dma_start3A_53 = tpu.memref_squeeze %dma_start3A_52 : memref<1x128x128xf32, #tpu.memory_space<hbm>> -> memref<128x128xf32, #tpu.memory_space<hbm>>
      tpu.enqueue_dma source(%arg7 : memref<128x128xf32, #tpu.memory_space<vmem>>) target(%dma_start3A_53 : memref<128x128xf32, #tpu.memory_space<hbm>>) target_semaphore(%run_scoped3A : memref<!tpu.dma_semaphore, #tpu.memory_space<semaphore_mem>>)
      %dma_wait3A = arith.constant 0 : i32
      %dma_wait3A_54 = tpu.memref_slice %arg5[%arg0, %add3A_36, %dma_wait3A] : memref<2x10240x128xf32, #tpu.memory_space<hbm>> -> memref<1x128x128xf32, #tpu.memory_space<hbm>>
      %dma_wait3A_55 = tpu.memref_squeeze %dma_wait3A_54 : memref<1x128x128xf32, #tpu.memory_space<hbm>> -> memref<128x128xf32, #tpu.memory_space<hbm>>
      %dma_wait3A_56 = arith.constant 0 : i32
      %dma_wait3A_57 = tpu.memref_slice %arg5[%arg0, %add3A_36, %dma_wait3A_56] : memref<2x10240x128xf32, #tpu.memory_space<hbm>> -> memref<1x128x128xf32, #tpu.memory_space<hbm>>
      %dma_wait3A_58 = tpu.memref_squeeze %dma_wait3A_57 : memref<1x128x128xf32, #tpu.memory_space<hbm>> -> memref<128x128xf32, #tpu.memory_space<hbm>>
      tpu.wait_dma2 semaphore(%run_scoped3A : memref<!tpu.dma_semaphore, #tpu.memory_space<semaphore_mem>>) src(%arg7 : memref<128x128xf32, #tpu.memory_space<vmem>>) dst(%dma_wait3A_58 : memref<128x128xf32, #tpu.memory_space<hbm>>)
      tpu.yield
    }) : () -> ()
    %mul3A_37 = arith.constant 640 : i32
    %mul3A_38 = arith.muli %arg1, %mul3A_37 : i32
    %add3A_39 = arith.constant 256 : i32
    %add3A_40 = arith.addi %mul3A_38, %add3A_39 : i32
    "tpu.region"() ({
      %run_scoped3A = tpu.sem_alloc : memref<!tpu.dma_semaphore, #tpu.memory_space<semaphore_mem>>
      %dma_start3A = arith.constant 0 : i32
      %dma_start3A_49 = tpu.memref_slice %arg8[%add3A_40, %dma_start3A] : memref<10240x128xf32, #tpu.memory_space<vmem_shared>> -> memref<128x128xf32, #tpu.memory_space<vmem_shared>>
      %dma_start3A_50 = arith.constant 0 : i32
      %dma_start3A_51 = tpu.memref_slice %arg8[%add3A_40, %dma_start3A_50] : memref<10240x128xf32, #tpu.memory_space<vmem_shared>> -> memref<128x128xf32, #tpu.memory_space<vmem_shared>>
      tpu.enqueue_dma source(%dma_start3A_51 : memref<128x128xf32, #tpu.memory_space<vmem_shared>>) target(%arg7 : memref<128x128xf32, #tpu.memory_space<vmem>>) target_semaphore(%run_scoped3A : memref<!tpu.dma_semaphore, #tpu.memory_space<semaphore_mem>>)
      %dma_wait3A = arith.constant 0 : i32
      %dma_wait3A_52 = tpu.memref_slice %arg8[%add3A_40, %dma_wait3A] : memref<10240x128xf32, #tpu.memory_space<vmem_shared>> -> memref<128x128xf32, #tpu.memory_space<vmem_shared>>
      %dma_wait3A_53 = arith.constant 0 : i32
      %dma_wait3A_54 = tpu.memref_slice %arg8[%add3A_40, %dma_wait3A_53] : memref<10240x128xf32, #tpu.memory_space<vmem_shared>> -> memref<128x128xf32, #tpu.memory_space<vmem_shared>>
      tpu.wait_dma2 semaphore(%run_scoped3A : memref<!tpu.dma_semaphore, #tpu.memory_space<semaphore_mem>>) src(%dma_wait3A_54 : memref<128x128xf32, #tpu.memory_space<vmem_shared>>) dst(%arg7 : memref<128x128xf32, #tpu.memory_space<vmem>>)
      tpu.yield
    }) : () -> ()
    "tpu.region"() ({
      %run_scoped3A = tpu.sem_alloc : memref<!tpu.dma_semaphore, #tpu.memory_space<semaphore_mem>>
      %dma_start3A = arith.constant 0 : i32
      %dma_start3A_49 = tpu.memref_slice %arg5[%arg0, %add3A_40, %dma_start3A] : memref<2x10240x128xf32, #tpu.memory_space<hbm>> -> memref<1x128x128xf32, #tpu.memory_space<hbm>>
      %dma_start3A_50 = tpu.memref_squeeze %dma_start3A_49 : memref<1x128x128xf32, #tpu.memory_space<hbm>> -> memref<128x128xf32, #tpu.memory_space<hbm>>
      %dma_start3A_51 = arith.constant 0 : i32
      %dma_start3A_52 = tpu.memref_slice %arg5[%arg0, %add3A_40, %dma_start3A_51] : memref<2x10240x128xf32, #tpu.memory_space<hbm>> -> memref<1x128x128xf32, #tpu.memory_space<hbm>>
      %dma_start3A_53 = tpu.memref_squeeze %dma_start3A_52 : memref<1x128x128xf32, #tpu.memory_space<hbm>> -> memref<128x128xf32, #tpu.memory_space<hbm>>
      tpu.enqueue_dma source(%arg7 : memref<128x128xf32, #tpu.memory_space<vmem>>) target(%dma_start3A_53 : memref<128x128xf32, #tpu.memory_space<hbm>>) target_semaphore(%run_scoped3A : memref<!tpu.dma_semaphore, #tpu.memory_space<semaphore_mem>>)
      %dma_wait3A = arith.constant 0 : i32
      %dma_wait3A_54 = tpu.memref_slice %arg5[%arg0, %add3A_40, %dma_wait3A] : memref<2x10240x128xf32, #tpu.memory_space<hbm>> -> memref<1x128x128xf32, #tpu.memory_space<hbm>>
      %dma_wait3A_55 = tpu.memref_squeeze %dma_wait3A_54 : memref<1x128x128xf32, #tpu.memory_space<hbm>> -> memref<128x128xf32, #tpu.memory_space<hbm>>
      %dma_wait3A_56 = arith.constant 0 : i32
      %dma_wait3A_57 = tpu.memref_slice %arg5[%arg0, %add3A_40, %dma_wait3A_56] : memref<2x10240x128xf32, #tpu.memory_space<hbm>> -> memref<1x128x128xf32, #tpu.memory_space<hbm>>
      %dma_wait3A_58 = tpu.memref_squeeze %dma_wait3A_57 : memref<1x128x128xf32, #tpu.memory_space<hbm>> -> memref<128x128xf32, #tpu.memory_space<hbm>>
      tpu.wait_dma2 semaphore(%run_scoped3A : memref<!tpu.dma_semaphore, #tpu.memory_space<semaphore_mem>>) src(%arg7 : memref<128x128xf32, #tpu.memory_space<vmem>>) dst(%dma_wait3A_58 : memref<128x128xf32, #tpu.memory_space<hbm>>)
      tpu.yield
    }) : () -> ()
    %mul3A_41 = arith.constant 640 : i32
    %mul3A_42 = arith.muli %arg1, %mul3A_41 : i32
    %add3A_43 = arith.constant 384 : i32
    %add3A_44 = arith.addi %mul3A_42, %add3A_43 : i32
    "tpu.region"() ({
      %run_scoped3A = tpu.sem_alloc : memref<!tpu.dma_semaphore, #tpu.memory_space<semaphore_mem>>
      %dma_start3A = arith.constant 0 : i32
      %dma_start3A_49 = tpu.memref_slice %arg8[%add3A_44, %dma_start3A] : memref<10240x128xf32, #tpu.memory_space<vmem_shared>> -> memref<128x128xf32, #tpu.memory_space<vmem_shared>>
      %dma_start3A_50 = arith.constant 0 : i32
      %dma_start3A_51 = tpu.memref_slice %arg8[%add3A_44, %dma_start3A_50] : memref<10240x128xf32, #tpu.memory_space<vmem_shared>> -> memref<128x128xf32, #tpu.memory_space<vmem_shared>>
      tpu.enqueue_dma source(%dma_start3A_51 : memref<128x128xf32, #tpu.memory_space<vmem_shared>>) target(%arg7 : memref<128x128xf32, #tpu.memory_space<vmem>>) target_semaphore(%run_scoped3A : memref<!tpu.dma_semaphore, #tpu.memory_space<semaphore_mem>>)
      %dma_wait3A = arith.constant 0 : i32
      %dma_wait3A_52 = tpu.memref_slice %arg8[%add3A_44, %dma_wait3A] : memref<10240x128xf32, #tpu.memory_space<vmem_shared>> -> memref<128x128xf32, #tpu.memory_space<vmem_shared>>
      %dma_wait3A_53 = arith.constant 0 : i32
      %dma_wait3A_54 = tpu.memref_slice %arg8[%add3A_44, %dma_wait3A_53] : memref<10240x128xf32, #tpu.memory_space<vmem_shared>> -> memref<128x128xf32, #tpu.memory_space<vmem_shared>>
      tpu.wait_dma2 semaphore(%run_scoped3A : memref<!tpu.dma_semaphore, #tpu.memory_space<semaphore_mem>>) src(%dma_wait3A_54 : memref<128x128xf32, #tpu.memory_space<vmem_shared>>) dst(%arg7 : memref<128x128xf32, #tpu.memory_space<vmem>>)
      tpu.yield
    }) : () -> ()
    "tpu.region"() ({
      %run_scoped3A = tpu.sem_alloc : memref<!tpu.dma_semaphore, #tpu.memory_space<semaphore_mem>>
      %dma_start3A = arith.constant 0 : i32
      %dma_start3A_49 = tpu.memref_slice %arg5[%arg0, %add3A_44, %dma_start3A] : memref<2x10240x128xf32, #tpu.memory_space<hbm>> -> memref<1x128x128xf32, #tpu.memory_space<hbm>>
      %dma_start3A_50 = tpu.memref_squeeze %dma_start3A_49 : memref<1x128x128xf32, #tpu.memory_space<hbm>> -> memref<128x128xf32, #tpu.memory_space<hbm>>
      %dma_start3A_51 = arith.constant 0 : i32
      %dma_start3A_52 = tpu.memref_slice %arg5[%arg0, %add3A_44, %dma_start3A_51] : memref<2x10240x128xf32, #tpu.memory_space<hbm>> -> memref<1x128x128xf32, #tpu.memory_space<hbm>>
      %dma_start3A_53 = tpu.memref_squeeze %dma_start3A_52 : memref<1x128x128xf32, #tpu.memory_space<hbm>> -> memref<128x128xf32, #tpu.memory_space<hbm>>
      tpu.enqueue_dma source(%arg7 : memref<128x128xf32, #tpu.memory_space<vmem>>) target(%dma_start3A_53 : memref<128x128xf32, #tpu.memory_space<hbm>>) target_semaphore(%run_scoped3A : memref<!tpu.dma_semaphore, #tpu.memory_space<semaphore_mem>>)
      %dma_wait3A = arith.constant 0 : i32
      %dma_wait3A_54 = tpu.memref_slice %arg5[%arg0, %add3A_44, %dma_wait3A] : memref<2x10240x128xf32, #tpu.memory_space<hbm>> -> memref<1x128x128xf32, #tpu.memory_space<hbm>>
      %dma_wait3A_55 = tpu.memref_squeeze %dma_wait3A_54 : memref<1x128x128xf32, #tpu.memory_space<hbm>> -> memref<128x128xf32, #tpu.memory_space<hbm>>
      %dma_wait3A_56 = arith.constant 0 : i32
      %dma_wait3A_57 = tpu.memref_slice %arg5[%arg0, %add3A_44, %dma_wait3A_56] : memref<2x10240x128xf32, #tpu.memory_space<hbm>> -> memref<1x128x128xf32, #tpu.memory_space<hbm>>
      %dma_wait3A_58 = tpu.memref_squeeze %dma_wait3A_57 : memref<1x128x128xf32, #tpu.memory_space<hbm>> -> memref<128x128xf32, #tpu.memory_space<hbm>>
      tpu.wait_dma2 semaphore(%run_scoped3A : memref<!tpu.dma_semaphore, #tpu.memory_space<semaphore_mem>>) src(%arg7 : memref<128x128xf32, #tpu.memory_space<vmem>>) dst(%dma_wait3A_58 : memref<128x128xf32, #tpu.memory_space<hbm>>)
      tpu.yield
    }) : () -> ()
    %mul3A_45 = arith.constant 640 : i32
    %mul3A_46 = arith.muli %arg1, %mul3A_45 : i32
    %add3A_47 = arith.constant 512 : i32
    %add3A_48 = arith.addi %mul3A_46, %add3A_47 : i32
    "tpu.region"() ({
      %run_scoped3A = tpu.sem_alloc : memref<!tpu.dma_semaphore, #tpu.memory_space<semaphore_mem>>
      %dma_start3A = arith.constant 0 : i32
      %dma_start3A_49 = tpu.memref_slice %arg8[%add3A_48, %dma_start3A] : memref<10240x128xf32, #tpu.memory_space<vmem_shared>> -> memref<128x128xf32, #tpu.memory_space<vmem_shared>>
      %dma_start3A_50 = arith.constant 0 : i32
      %dma_start3A_51 = tpu.memref_slice %arg8[%add3A_48, %dma_start3A_50] : memref<10240x128xf32, #tpu.memory_space<vmem_shared>> -> memref<128x128xf32, #tpu.memory_space<vmem_shared>>
      tpu.enqueue_dma source(%dma_start3A_51 : memref<128x128xf32, #tpu.memory_space<vmem_shared>>) target(%arg7 : memref<128x128xf32, #tpu.memory_space<vmem>>) target_semaphore(%run_scoped3A : memref<!tpu.dma_semaphore, #tpu.memory_space<semaphore_mem>>)
      %dma_wait3A = arith.constant 0 : i32
      %dma_wait3A_52 = tpu.memref_slice %arg8[%add3A_48, %dma_wait3A] : memref<10240x128xf32, #tpu.memory_space<vmem_shared>> -> memref<128x128xf32, #tpu.memory_space<vmem_shared>>
      %dma_wait3A_53 = arith.constant 0 : i32
      %dma_wait3A_54 = tpu.memref_slice %arg8[%add3A_48, %dma_wait3A_53] : memref<10240x128xf32, #tpu.memory_space<vmem_shared>> -> memref<128x128xf32, #tpu.memory_space<vmem_shared>>
      tpu.wait_dma2 semaphore(%run_scoped3A : memref<!tpu.dma_semaphore, #tpu.memory_space<semaphore_mem>>) src(%dma_wait3A_54 : memref<128x128xf32, #tpu.memory_space<vmem_shared>>) dst(%arg7 : memref<128x128xf32, #tpu.memory_space<vmem>>)
      tpu.yield
    }) : () -> ()
    "tpu.region"() ({
      %run_scoped3A = tpu.sem_alloc : memref<!tpu.dma_semaphore, #tpu.memory_space<semaphore_mem>>
      %dma_start3A = arith.constant 0 : i32
      %dma_start3A_49 = tpu.memref_slice %arg5[%arg0, %add3A_48, %dma_start3A] : memref<2x10240x128xf32, #tpu.memory_space<hbm>> -> memref<1x128x128xf32, #tpu.memory_space<hbm>>
      %dma_start3A_50 = tpu.memref_squeeze %dma_start3A_49 : memref<1x128x128xf32, #tpu.memory_space<hbm>> -> memref<128x128xf32, #tpu.memory_space<hbm>>
      %dma_start3A_51 = arith.constant 0 : i32
      %dma_start3A_52 = tpu.memref_slice %arg5[%arg0, %add3A_48, %dma_start3A_51] : memref<2x10240x128xf32, #tpu.memory_space<hbm>> -> memref<1x128x128xf32, #tpu.memory_space<hbm>>
      %dma_start3A_53 = tpu.memref_squeeze %dma_start3A_52 : memref<1x128x128xf32, #tpu.memory_space<hbm>> -> memref<128x128xf32, #tpu.memory_space<hbm>>
      tpu.enqueue_dma source(%arg7 : memref<128x128xf32, #tpu.memory_space<vmem>>) target(%dma_start3A_53 : memref<128x128xf32, #tpu.memory_space<hbm>>) target_semaphore(%run_scoped3A : memref<!tpu.dma_semaphore, #tpu.memory_space<semaphore_mem>>)
      %dma_wait3A = arith.constant 0 : i32
      %dma_wait3A_54 = tpu.memref_slice %arg5[%arg0, %add3A_48, %dma_wait3A] : memref<2x10240x128xf32, #tpu.memory_space<hbm>> -> memref<1x128x128xf32, #tpu.memory_space<hbm>>
      %dma_wait3A_55 = tpu.memref_squeeze %dma_wait3A_54 : memref<1x128x128xf32, #tpu.memory_space<hbm>> -> memref<128x128xf32, #tpu.memory_space<hbm>>
      %dma_wait3A_56 = arith.constant 0 : i32
      %dma_wait3A_57 = tpu.memref_slice %arg5[%arg0, %add3A_48, %dma_wait3A_56] : memref<2x10240x128xf32, #tpu.memory_space<hbm>> -> memref<1x128x128xf32, #tpu.memory_space<hbm>>
      %dma_wait3A_58 = tpu.memref_squeeze %dma_wait3A_57 : memref<1x128x128xf32, #tpu.memory_space<hbm>> -> memref<128x128xf32, #tpu.memory_space<hbm>>
      tpu.wait_dma2 semaphore(%run_scoped3A : memref<!tpu.dma_semaphore, #tpu.memory_space<semaphore_mem>>) src(%arg7 : memref<128x128xf32, #tpu.memory_space<vmem>>) dst(%dma_wait3A_58 : memref<128x128xf32, #tpu.memory_space<hbm>>)
      tpu.yield
    }) : () -> ()
    return
  }
}

module attributes {stable_mosaic.version = 14 : i64} {
  func.func @_pre_body(%arg0: i32, %arg1: memref<1024x128xf32, #tpu.memory_space<vmem>>, %arg2: memref<128x128xf32, #tpu.memory_space<vmem>>, %arg3: memref<1024x128xf32, #tpu.memory_space<vmem>>) attributes {dimension_semantics = [#tpu.dimension_semantics<arbitrary>], iteration_bounds = array<i64: 10>, scalar_prefetch = 0 : i64, scratch_operands = 0 : i64, tpu.core_type = #tpu.core_type<tc>, window_params = [{transform_indices = @transform_0, window_bounds = array<i64: 1024, 128>}, {pipeline_mode = #tpu.pipeline_mode<synchronous>, transform_indices = @transform_1, window_bounds = array<i64: 128, 128>}, {transform_indices = @transform_2, window_bounds = array<i64: 1024, 128>}]} {
    %get3A = arith.constant 0 : index
    %get3A_0 = arith.constant 0 : index
    %get3A_1 = vector.load %arg1[%get3A, %get3A_0] : memref<1024x128xf32, #tpu.memory_space<vmem>>, vector<1024x128xf32>
    %get3A_2 = arith.constant 0 : index
    %get3A_3 = arith.constant 0 : index
    %get3A_4 = vector.load %arg2[%get3A_2, %get3A_3] : memref<128x128xf32, #tpu.memory_space<vmem>>, vector<128x128xf32>
    %dot_general3A = arith.constant dense<0.000000e+00> : vector<1024x128xf32>
    %dot_general3A_5 = tpu.matmul %get3A_1, %get3A_4, %dot_general3A {dimension_numbers = #tpu.dot_dimension_numbers<[1], [0], [0], [1], [0, 0, 1, 1], [], []>, transpose_lhs_hint = false} : vector<1024x128xf32>, vector<128x128xf32>, vector<1024x128xf32> -> vector<1024x128xf32>
    %swap3A = arith.constant 0 : index
    %swap3A_6 = arith.constant 0 : index
    %swap3A_7 = vector.load %arg3[%swap3A, %swap3A_6] : memref<1024x128xf32, #tpu.memory_space<vmem>>, vector<1024x128xf32>
    tpu.vector_store %arg3[%swap3A, %swap3A_6], %dot_general3A_5 {strides = array<i32>} : memref<1024x128xf32, #tpu.memory_space<vmem>>, vector<1024x128xf32>,
    return
  }
  func.func @transform_0(%arg0: i32) -> (i32, i32) {
    %c0_i32 = arith.constant 0 : i32
    %c0_i32_0 = arith.constant 0 : i32
    return %arg0, %c0_i32 : i32, i32
  }
  func.func @transform_1(%arg0: i32) -> (i32, i32) {
    %c0_i32 = arith.constant 0 : i32
    %c0_i32_0 = arith.constant 0 : i32
    %c0_i32_1 = arith.constant 0 : i32
    return %c0_i32, %c0_i32_0 : i32, i32
  }
  func.func @transform_2(%arg0: i32) -> (i32, i32) {
    %c0_i32 = arith.constant 0 : i32
    %c0_i32_0 = arith.constant 0 : i32
    return %arg0, %c0_i32 : i32, i32
  }
}

module attributes {stable_mosaic.version = 14 : i64} {
  func.func @_mid_body(%arg0: i32, %arg1: memref<2x1024x128xf32, #tpu.memory_space<vmem>>, %arg2: memref<2x1024x128xf32, #tpu.memory_space<vmem>>, %arg3: memref<1024x128xf32, #tpu.memory_space<vmem>>, %arg4: memref<128x128xf32, #tpu.memory_space<vmem>>, %arg5: memref<128xf32, #tpu.memory_space<vmem>>, %arg6: memref<128x128xf32, #tpu.memory_space<vmem>>, %arg7: memref<1024x128xf32, #tpu.memory_space<vmem>>, %arg8: memref<1024x128xf32, #tpu.memory_space<vmem>>, %arg9: memref<1024xf32, #tpu.memory_space<vmem>>) attributes {dimension_semantics = [#tpu.dimension_semantics<arbitrary>], iteration_bounds = array<i64: 10>, scalar_prefetch = 0 : i64, scratch_operands = 0 : i64, tpu.core_type = #tpu.core_type<tc>, window_params = [{transform_indices = @transform_0, window_bounds = array<i64: 2, 1024, 128>}, {transform_indices = @transform_1, window_bounds = array<i64: 2, 1024, 128>}, {transform_indices = @transform_2, window_bounds = array<i64: 1024, 128>}, {pipeline_mode = #tpu.pipeline_mode<synchronous>, transform_indices = @transform_3, window_bounds = array<i64: 128, 128>}, {pipeline_mode = #tpu.pipeline_mode<synchronous>, transform_indices = @transform_4, window_bounds = array<i64: 128>}, {pipeline_mode = #tpu.pipeline_mode<synchronous>, transform_indices = @transform_5, window_bounds = array<i64: 128, 128>}, {transform_indices = @transform_6, window_bounds = array<i64: 1024, 128>}, {transform_indices = @transform_7, window_bounds = array<i64: 1024, 128>}, {transform_indices = @transform_8, window_bounds = array<i64: 1024>}]} {
    %get3A = arith.constant 0 : index
    %get3A_0 = arith.constant 0 : index
    %get3A_1 = arith.constant 0 : index
    %get3A_2 = vector.load %arg1[%get3A, %get3A_0, %get3A_1] : memref<2x1024x128xf32, #tpu.memory_space<vmem>>, vector<1x1024x128xf32>
    %get3A_3 = vector.shape_cast %get3A_2 : vector<1x1024x128xf32> to vector<1024x128xf32>
    %get3A_4 = arith.constant 1 : index
    %get3A_5 = arith.constant 0 : index
    %get3A_6 = arith.constant 0 : index
    %get3A_7 = vector.load %arg1[%get3A_4, %get3A_5, %get3A_6] : memref<2x1024x128xf32, #tpu.memory_space<vmem>>, vector<1x1024x128xf32>
    %get3A_8 = vector.shape_cast %get3A_7 : vector<1x1024x128xf32> to vector<1024x128xf32>
    %add3A = arith.addf %get3A_3, %get3A_8 : vector<1024x128xf32>
    %get3A_9 = arith.constant 0 : index
    %get3A_10 = arith.constant 0 : index
    %get3A_11 = arith.constant 0 : index
    %get3A_12 = vector.load %arg2[%get3A_9, %get3A_10, %get3A_11] : memref<2x1024x128xf32, #tpu.memory_space<vmem>>, vector<1x1024x1xf32>
    %get3A_13 = vector.shape_cast %get3A_12 : vector<1x1024x1xf32> to vector<1024x1xf32>
    %get3A_14 = arith.constant 1 : index
    %get3A_15 = arith.constant 0 : index
    %get3A_16 = arith.constant 0 : index
    %get3A_17 = vector.load %arg2[%get3A_14, %get3A_15, %get3A_16] : memref<2x1024x128xf32, #tpu.memory_space<vmem>>, vector<1x1024x1xf32>
    %get3A_18 = vector.shape_cast %get3A_17 : vector<1x1024x1xf32> to vector<1024x1xf32>
    %add3A_19 = arith.addf %get3A_13, %get3A_18 : vector<1024x1xf32>
    %max3A = arith.constant 1.000000e+00 : f32
    %max3A_20 = vector.broadcast %max3A : f32 to vector<1024x1xf32>
    %max3A_21 = arith.maximumf %add3A_19, %max3A_20 : vector<1024x1xf32>
    %div3A = arith.constant 1.000000e+00 : f32
    %div3A_22 = vector.broadcast %div3A : f32 to vector<1024x1xf32>
    %div3A_23 = arith.divf %div3A_22, %max3A_21 : vector<1024x1xf32>
    %get3A_24 = arith.constant 0 : index
    %get3A_25 = arith.constant 0 : index
    %get3A_26 = vector.load %arg3[%get3A_24, %get3A_25] : memref<1024x128xf32, #tpu.memory_space<vmem>>, vector<1024x128xf32>
    %get3A_27 = arith.constant 0 : index
    %get3A_28 = arith.constant 0 : index
    %get3A_29 = vector.load %arg4[%get3A_27, %get3A_28] : memref<128x128xf32, #tpu.memory_space<vmem>>, vector<128x128xf32>
    %dot_general3A = arith.constant dense<0.000000e+00> : vector<1024x128xf32>
    %dot_general3A_30 = tpu.matmul %get3A_26, %get3A_29, %dot_general3A {dimension_numbers = #tpu.dot_dimension_numbers<[1], [0], [0], [1], [0, 0, 1, 1], [], []>, transpose_lhs_hint = false} : vector<1024x128xf32>, vector<128x128xf32>, vector<1024x128xf32> -> vector<1024x128xf32>
    %mul3A = vector.broadcast %div3A_23 : vector<1024x1xf32> to vector<1024x128xf32>
    %mul3A_31 = arith.mulf %add3A, %mul3A : vector<1024x128xf32>
    %add3A_32 = arith.addf %mul3A_31, %dot_general3A_30 : vector<1024x128xf32>
    %get3A_33 = arith.constant 0 : index
    %get3A_34 = vector.load %arg5[%get3A_33] : memref<128xf32, #tpu.memory_space<vmem>>, vector<128xf32>
    %broadcast_in_dim3A = vector.shape_cast %get3A_34 : vector<128xf32> to vector<1x128xf32>
    %add3A_35 = vector.broadcast %broadcast_in_dim3A : vector<1x128xf32> to vector<1024x128xf32>
    %add3A_36 = arith.addf %add3A_32, %add3A_35 : vector<1024x128xf32>
    %max3A_37 = arith.constant 0.000000e+00 : f32
    %max3A_38 = vector.broadcast %max3A_37 : f32 to vector<1024x128xf32>
    %max3A_39 = arith.maximumf %add3A_36, %max3A_38 : vector<1024x128xf32>
    %swap3A = arith.constant 0 : index
    %swap3A_40 = arith.constant 0 : index
    %swap3A_41 = vector.load %arg7[%swap3A, %swap3A_40] : memref<1024x128xf32, #tpu.memory_space<vmem>>, vector<1024x128xf32>
    tpu.vector_store %arg7[%swap3A, %swap3A_40], %max3A_39 {strides = array<i32>} : memref<1024x128xf32, #tpu.memory_space<vmem>>, vector<1024x128xf32>,
    %get3A_42 = arith.constant 0 : index
    %get3A_43 = arith.constant 0 : index
    %get3A_44 = vector.load %arg6[%get3A_42, %get3A_43] : memref<128x128xf32, #tpu.memory_space<vmem>>, vector<128x128xf32>
    %dot_general3A_45 = arith.constant dense<0.000000e+00> : vector<1024x128xf32>
    %dot_general3A_46 = tpu.matmul %max3A_39, %get3A_44, %dot_general3A_45 {dimension_numbers = #tpu.dot_dimension_numbers<[1], [0], [0], [1], [0, 0, 1, 1], [], []>, transpose_lhs_hint = false} : vector<1024x128xf32>, vector<128x128xf32>, vector<1024x128xf32> -> vector<1024x128xf32>
    %swap3A_47 = arith.constant 0 : index
    %swap3A_48 = arith.constant 0 : index
    %swap3A_49 = vector.load %arg8[%swap3A_47, %swap3A_48] : memref<1024x128xf32, #tpu.memory_space<vmem>>, vector<1024x128xf32>
    tpu.vector_store %arg8[%swap3A_47, %swap3A_48], %dot_general3A_46 {strides = array<i32>} : memref<1024x128xf32, #tpu.memory_space<vmem>>, vector<1024x128xf32>,
    %squeeze3A = vector.shape_cast %div3A_23 : vector<1024x1xf32> to vector<1024xf32>
    %swap3A_50 = arith.constant 0 : index
    %swap3A_51 = vector.load %arg9[%swap3A_50] : memref<1024xf32, #tpu.memory_space<vmem>>, vector<1024xf32>
    tpu.vector_store %arg9[%swap3A_50], %squeeze3A {strides = array<i32>} : memref<1024xf32, #tpu.memory_space<vmem>>, vector<1024xf32>,
    return
  }
  func.func @transform_0(%arg0: i32) -> (i32, i32, i32) {
    %c0_i32 = arith.constant 0 : i32
    %c0_i32_0 = arith.constant 0 : i32
    %c0_i32_1 = arith.constant 0 : i32
    return %c0_i32, %arg0, %c0_i32_0 : i32, i32, i32
  }
  func.func @transform_1(%arg0: i32) -> (i32, i32, i32) {
    %c0_i32 = arith.constant 0 : i32
    %c0_i32_0 = arith.constant 0 : i32
    %c0_i32_1 = arith.constant 0 : i32
    return %c0_i32, %arg0, %c0_i32_0 : i32, i32, i32
  }
  func.func @transform_2(%arg0: i32) -> (i32, i32) {
    %c0_i32 = arith.constant 0 : i32
    %c0_i32_0 = arith.constant 0 : i32
    return %arg0, %c0_i32 : i32, i32
  }
  func.func @transform_3(%arg0: i32) -> (i32, i32) {
    %c0_i32 = arith.constant 0 : i32
    %c0_i32_0 = arith.constant 0 : i32
    %c0_i32_1 = arith.constant 0 : i32
    return %c0_i32, %c0_i32_0 : i32, i32
  }
  func.func @transform_4(%arg0: i32) -> i32 {
    %c0_i32 = arith.constant 0 : i32
    %c0_i32_0 = arith.constant 0 : i32
    return %c0_i32 : i32
  }
  func.func @transform_5(%arg0: i32) -> (i32, i32) {
    %c0_i32 = arith.constant 0 : i32
    %c0_i32_0 = arith.constant 0 : i32
    %c0_i32_1 = arith.constant 0 : i32
    return %c0_i32, %c0_i32_0 : i32, i32
  }
  func.func @transform_6(%arg0: i32) -> (i32, i32) {
    %c0_i32 = arith.constant 0 : i32
    %c0_i32_0 = arith.constant 0 : i32
    return %arg0, %c0_i32 : i32, i32
  }
  func.func @transform_7(%arg0: i32) -> (i32, i32) {
    %c0_i32 = arith.constant 0 : i32
    %c0_i32_0 = arith.constant 0 : i32
    return %arg0, %c0_i32 : i32, i32
  }
  func.func @transform_8(%arg0: i32) -> i32 {
    %c0_i32 = arith.constant 0 : i32
    return %arg0 : i32
  }
}

module attributes {stable_mosaic.version = 14 : i64} {
  func.func @_fin_body(%arg0: i32, %arg1: memref<2x1024x128xf32, #tpu.memory_space<vmem>>, %arg2: memref<1024x128xf32, #tpu.memory_space<vmem>>, %arg3: memref<1024xf32, #tpu.memory_space<vmem>>, %arg4: memref<128x128xf32, #tpu.memory_space<vmem>>, %arg5: memref<128xf32, #tpu.memory_space<vmem>>, %arg6: memref<1024x128xf32, #tpu.memory_space<vmem>>) attributes {dimension_semantics = [#tpu.dimension_semantics<arbitrary>], iteration_bounds = array<i64: 10>, scalar_prefetch = 0 : i64, scratch_operands = 0 : i64, tpu.core_type = #tpu.core_type<tc>, window_params = [{transform_indices = @transform_0, window_bounds = array<i64: 2, 1024, 128>}, {transform_indices = @transform_1, window_bounds = array<i64: 1024, 128>}, {transform_indices = @transform_2, window_bounds = array<i64: 1024>}, {pipeline_mode = #tpu.pipeline_mode<synchronous>, transform_indices = @transform_3, window_bounds = array<i64: 128, 128>}, {pipeline_mode = #tpu.pipeline_mode<synchronous>, transform_indices = @transform_4, window_bounds = array<i64: 128>}, {transform_indices = @transform_5, window_bounds = array<i64: 1024, 128>}]} {
    %get3A = arith.constant 0 : index
    %get3A_0 = arith.constant 0 : index
    %get3A_1 = arith.constant 0 : index
    %get3A_2 = vector.load %arg1[%get3A, %get3A_0, %get3A_1] : memref<2x1024x128xf32, #tpu.memory_space<vmem>>, vector<1x1024x128xf32>
    %get3A_3 = vector.shape_cast %get3A_2 : vector<1x1024x128xf32> to vector<1024x128xf32>
    %get3A_4 = arith.constant 1 : index
    %get3A_5 = arith.constant 0 : index
    %get3A_6 = arith.constant 0 : index
    %get3A_7 = vector.load %arg1[%get3A_4, %get3A_5, %get3A_6] : memref<2x1024x128xf32, #tpu.memory_space<vmem>>, vector<1x1024x128xf32>
    %get3A_8 = vector.shape_cast %get3A_7 : vector<1x1024x128xf32> to vector<1024x128xf32>
    %add3A = arith.addf %get3A_3, %get3A_8 : vector<1024x128xf32>
    %get3A_9 = arith.constant 0 : index
    %get3A_10 = arith.constant 0 : index
    %get3A_11 = vector.load %arg2[%get3A_9, %get3A_10] : memref<1024x128xf32, #tpu.memory_space<vmem>>, vector<1024x128xf32>
    %get3A_12 = arith.constant 0 : index
    %get3A_13 = arith.constant 0 : index
    %get3A_14 = vector.load %arg4[%get3A_12, %get3A_13] : memref<128x128xf32, #tpu.memory_space<vmem>>, vector<128x128xf32>
    %dot_general3A = arith.constant dense<0.000000e+00> : vector<1024x128xf32>
    %dot_general3A_15 = tpu.matmul %get3A_11, %get3A_14, %dot_general3A {dimension_numbers = #tpu.dot_dimension_numbers<[1], [0], [0], [1], [0, 0, 1, 1], [], []>, transpose_lhs_hint = false} : vector<1024x128xf32>, vector<128x128xf32>, vector<1024x128xf32> -> vector<1024x128xf32>
    %get3A_16 = arith.constant 0 : index
    %get3A_17 = vector.load %arg3[%get3A_16] : memref<1024xf32, #tpu.memory_space<vmem>>, vector<1024xf32>
    %broadcast_in_dim3A = vector.shape_cast %get3A_17 : vector<1024xf32> to vector<1024x1xf32>
    %mul3A = vector.broadcast %broadcast_in_dim3A : vector<1024x1xf32> to vector<1024x128xf32>
    %mul3A_18 = arith.mulf %add3A, %mul3A : vector<1024x128xf32>
    %add3A_19 = arith.addf %mul3A_18, %dot_general3A_15 : vector<1024x128xf32>
    %get3A_20 = arith.constant 0 : index
    %get3A_21 = vector.load %arg5[%get3A_20] : memref<128xf32, #tpu.memory_space<vmem>>, vector<128xf32>
    %broadcast_in_dim3A_22 = vector.shape_cast %get3A_21 : vector<128xf32> to vector<1x128xf32>
    %add3A_23 = vector.broadcast %broadcast_in_dim3A_22 : vector<1x128xf32> to vector<1024x128xf32>
    %add3A_24 = arith.addf %add3A_19, %add3A_23 : vector<1024x128xf32>
    %swap3A = arith.constant 0 : index
    %swap3A_25 = arith.constant 0 : index
    %swap3A_26 = vector.load %arg6[%swap3A, %swap3A_25] : memref<1024x128xf32, #tpu.memory_space<vmem>>, vector<1024x128xf32>
    tpu.vector_store %arg6[%swap3A, %swap3A_25], %add3A_24 {strides = array<i32>} : memref<1024x128xf32, #tpu.memory_space<vmem>>, vector<1024x128xf32>,
    return
  }
  func.func @transform_0(%arg0: i32) -> (i32, i32, i32) {
    %c0_i32 = arith.constant 0 : i32
    %c0_i32_0 = arith.constant 0 : i32
    %c0_i32_1 = arith.constant 0 : i32
    return %c0_i32, %arg0, %c0_i32_0 : i32, i32, i32
  }
  func.func @transform_1(%arg0: i32) -> (i32, i32) {
    %c0_i32 = arith.constant 0 : i32
    %c0_i32_0 = arith.constant 0 : i32
    return %arg0, %c0_i32 : i32, i32
  }
  func.func @transform_2(%arg0: i32) -> i32 {
    %c0_i32 = arith.constant 0 : i32
    return %arg0 : i32
  }
  func.func @transform_3(%arg0: i32) -> (i32, i32) {
    %c0_i32 = arith.constant 0 : i32
    %c0_i32_0 = arith.constant 0 : i32
    %c0_i32_1 = arith.constant 0 : i32
    return %c0_i32, %c0_i32_0 : i32, i32
  }
  func.func @transform_4(%arg0: i32) -> i32 {
    %c0_i32 = arith.constant 0 : i32
    %c0_i32_0 = arith.constant 0 : i32
    return %c0_i32 : i32
  }
  func.func @transform_5(%arg0: i32) -> (i32, i32) {
    %c0_i32 = arith.constant 0 : i32
    %c0_i32_0 = arith.constant 0 : i32
    return %arg0, %c0_i32 : i32, i32
  }
}

</mosaic_0001>

<sc_bundles>
// kernel: kernel.11.cloned.1.call-start
scs
__scs_entry_jumppad:
0x0: {  	(pc) =	sbr.rel $0x88, $3  }
0x1: {  	(tag) =	ssettag $0x0;
	lr =	simm.s32 $0x1  }
0x2: {  	[smem:$0x3F99] =	sst lr;
	_ =	strace $0xD0000000  }
0x3: {  	_ = 	snop  }
0x4: {  	_ = 	snop  }
0x5: {  	_ = 	snop  }
0x6: {  	_ = 	snop  }
0x7: {  	_ = 	snop  }
__scs_overlays_trampoline_lowered:
0x8: {  	[smem:$0x3FA8] =	sst s0  }
0x9: {  	[smem:$0x3FA9] =	sst s1  }
0xa: {  	[smem:$0x3FAA] =	sst s2  }
0xb: {  	[smem:$0x3FAB] =	sst s3  }
0xc: {  	[smem:$0x3FAC] =	sst s4  }
0xd: {  	[smem:$0x3FAD] =	sst s5  }
0xe: {  	[smem:$0x3FAE] =	sst s6  }
0xf: {  	[smem:$0x3FAF] =	sst s7  }
0x10: {  	[smem:$0x3FB0] =	sst s8  }
0x11: {  	[smem:$0x3FB1] =	sst s9;
	s0 =	simm.s32 @!p0 $0x0  }
0x12: {  	s1 =	sld [smem:$0x3F97];
	s0 =	simm.s32 @p0 $0x1  }
0x13: {  	[smem:$0x3FB2] =	sst s0;
	s0 =	simm.s32 @!p1 $0x0  }
0x14: {  	s2 =	sld [smem:$0x3F96];
	s0 =	simm.s32 @p1 $0x1  }
0x15: {  	[smem:$0x3FB3] =	sst s0;
	s0 =	simm.s32 @!p2 $0x0  }
0x16: {  	s3 =	sld [smem:$0x3FDB];
	s0 =	simm.s32 @p2 $0x1  }
0x17: {  	s4 =	simm.s32 $0x1BF5;
	[smem:$0x3FB5] =	sst s0  }
0x18: {  	s0 =	sld [smem:$0x3F98];
	_ =	swait.ge [sflag:s4], $0x0  }
0x19: {  	s7 =	sld [smem:$0x3F99]  }
0x1a: {  	s8 =	sadd.s32 $0xFFFFE003, lr  }
0x1b: {  	s9 =	sadd.s32 $0xFFFFFEF7, lr;
	s5 =	simm.s32 $0xFFFFFFFF;
	p2 =	slt.u32 s8, $0xFFFFF086  }
0x1c: {  	p1 =	slt.u32 s9, $0xF7A;
	s5 =	simm.s32 @!p2 $0x0  }
0x1d: {  	s5 =	simm.s32 @p1 $0x1;
	p0 =	seq.s32 s7, s2  }
0x1e: {  	s7 =	smul.u32 @!p0 $0xF7A, s2;
	p2 =	seq.s32 @!p0 s5, $0x0  }
0x1f: {  	s9 =	smul.u32 $0xF7A, s1;
	s8 =	simm.s32 @!p0 $0x1BF5;
	p2 =	por !p2, p0  }
0x20: {  	[sflag:s8] =	ssyncset.s32 @!p0 $0xFFFFF086;
	s6 =	sadd.s32 @!p0 s3, s7;
	s7 =	simm.s32 @!p0 $0x108  }
0x21: {  	s3 =	sadd.s32 s3, s9;
	s6 =	sadd.s32 @!p0 $0x88, s6;
	s7 =	simm.s32 @p2 $0x1082  }
0x22: {  	[simem:s7], [sflag:s8] =	dma.local @!p0 [hbm:s6], $0xF7A  }
0x23: {  	s9 =	sor.u32 $0xD0000000, s2;
	s6 =	simm.s32 $0x108;
	_ =	swait.ge @!p0 [sflag:s8], $0x0  }
0x24: {  	s3 =	sadd.s32 $0x88, s3;
	s6 =	simm.s32 @!p1 $0x1082;
	[sflag:s4] =	ssyncset.s32 $0xFFFFF086  }
0x25: {  	[simem:s6], [sflag:s4] =	dma.local [hbm:s3], $0xF7A  }
0x26: {  	[smem:$0x3F99] =	sst s1;
	(tag) =	ssettag s2;
	_ =	strace s9  }
0x27: {  	s1 =	sld [smem:$0x3FA9]  }
0x28: {  	s2 =	sld [smem:$0x3FAA]  }
0x29: {  	s4 =	sld [smem:$0x3FAC]  }
0x2a: {  	p0 =	seq.s32 s5, $0x0;
	s5 =	sld [smem:$0x3FAD]  }
0x2b: {  	s6 =	sld [smem:$0x3FAE]  }
0x2c: {  	s7 =	sld [smem:$0x3FAF]  }
0x2d: {  	s3 =	simm.s32 $0x108;
	s8 =	sld [smem:$0x3FB0]  }
0x2e: {  	s3 =	simm.s32 @!p0 $0x1082;
	s9 =	sld [smem:$0x3FB1]  }
0x2f: {  	lr =	sadd.s32 s0, s3;
	s0 =	sld [smem:$0x3FA8]  }
0x30: {  	s3 =	sld [smem:$0x3FAB]  }
0x31: {  	[smem:$0x3FB4] =	sst s10  }
0x32: {  	s10 =	sld [smem:$0x3FB2];
	_ =	sdelay $0x3  }
0x33: {  	p0 =	seq.s32 s10, $0x1;
	s10 =	sld [smem:$0x3FB4];
	_ =	sdelay $0x3  }
0x34: {  	[smem:$0x3FB4] =	sst s10  }
0x35: {  	s10 =	sld [smem:$0x3FB3];
	_ =	sdelay $0x3  }
0x36: {  	p1 =	seq.s32 s10, $0x1;
	s10 =	sld [smem:$0x3FB4];
	_ =	sdelay $0x3  }
0x37: {  	[smem:$0x3FB4] =	sst s10  }
0x38: {  	s10 =	sld [smem:$0x3FB5]  }
0x39: {  	_ = 	snop;
	(pc) =	sbr.ind lr, $3  }
0x3a: {  	_ = 	snop  }
0x3b: {  	_ = 	snop  }
0x3c: {  	p2 =	seq.s32 s10, $0x1;
	s10 =	sld [smem:$0x3FB4]  }
0x3d: {  	_ =	shalt  }
0x3e: {  	_ =	shalt  }
0x3f: {  	_ =	shalt  }
0x40: {  	_ =	shalt  }
0x41: {  	_ =	shalt  }
0x42: {  	_ =	shalt  }
0x43: {  	_ =	shalt  }
0x44: {  	_ =	shalt  }
0x45: {  	_ =	shalt  }
0x46: {  	_ =	shalt  }
0x47: {  	_ =	shalt  }
0x48: {  	_ =	shalt  }
0x49: {  	_ =	shalt  }
0x4a: {  	_ =	shalt  }
0x4b: {  	_ =	shalt  }
0x4c: {  	_ =	shalt  }
0x4d: {  	_ =	shalt  }
0x4e: {  	_ =	shalt  }
0x4f: {  	_ =	shalt  }
0x50: {  	_ =	shalt  }
0x51: {  	_ =	shalt  }
0x52: {  	_ =	shalt  }
0x53: {  	_ =	shalt  }
0x54: {  	_ =	shalt  }
0x55: {  	_ =	shalt  }
0x56: {  	_ =	shalt  }
0x57: {  	_ =	shalt  }
0x58: {  	_ =	shalt  }
0x59: {  	_ =	shalt  }
0x5a: {  	_ =	shalt  }
0x5b: {  	_ =	shalt  }
0x5c: {  	_ =	shalt  }
0x5d: {  	_ =	shalt  }
0x5e: {  	_ =	shalt  }
0x5f: {  	_ =	shalt  }
0x60: {  	_ =	shalt  }
0x61: {  	_ =	shalt  }
0x62: {  	_ =	shalt  }
0x63: {  	_ =	shalt  }
0x64: {  	_ =	shalt  }
0x65: {  	_ =	shalt  }
0x66: {  	_ =	shalt  }
0x67: {  	_ =	shalt  }
0x68: {  	_ =	shalt  }
0x69: {  	_ =	shalt  }
0x6a: {  	_ =	shalt  }
0x6b: {  	_ =	shalt  }
0x6c: {  	_ =	shalt  }
0x6d: {  	_ =	shalt  }
0x6e: {  	_ =	shalt  }
0x6f: {  	_ =	shalt  }
0x70: {  	_ =	shalt  }
0x71: {  	_ =	shalt  }
0x72: {  	_ =	shalt  }
0x73: {  	_ =	shalt  }
0x74: {  	_ =	shalt  }
0x75: {  	_ =	shalt  }
0x76: {  	_ =	shalt  }
0x77: {  	_ =	shalt  }
0x78: {  	_ =	shalt  }
0x79: {  	_ =	shalt  }
0x7a: {  	_ =	shalt  }
0x7b: {  	_ =	shalt  }
0x7c: {  	_ =	shalt  }
0x7d: {  	_ =	shalt  }
0x7e: {  	_ =	shalt  }
0x7f: {  	_ =	shalt  }
0x80: {  	_ =	shalt  }
0x81: {  	_ =	shalt  }
0x82: {  	_ =	shalt  }
0x83: {  	_ =	shalt  }
0x84: {  	_ =	shalt  }
0x85: {  	_ =	shalt  }
0x86: {  	_ =	shalt  }
0x87: {  	_ =	shalt  }
.Lfunc_end0:
.L_simem_size_0:
called_computation.1_lowered:
.L_overlay_start_0:
0x88: {  	s2 =	sld [smem:$0x3FD9]  }
0x89: {  	s3 =	sld [smem:$0x3FFE];
	_ =	sdelay $0x1  }
0x8a: {  	s1 =	srdreg.scid  }
0x8b: {  	s0 =	sand.u32 $0x1, s1  }
0x8c: {  	s17 =	sshll.u32 s0, $0xA;
	s2 =	sadd.s32 s3, s2  }
0x8d: {  	s2 =	sadd.s32 s2, s17  }
0x8e: {  	[smem:$0x3FC0] =	sst s2  }
0x8f: {  	_ = 	snop  }
0x90: {  	(tm) =	ssettm $0x1  }
0x91: {  	s18 =	sld [smem:$0x3FFB];
	_ =	sdelay $0x3  }
0x92: {  	_ =	strace s18  }
0x93: {  	s2 =	sld [smem:$0x3FFC];
	_ =	sdelay $0x3  }
0x94: {  	_ =	strace s2  }
0x95: {  	s2 =	sld [smem:$0x3FFD];
	_ =	sdelay $0x3  }
0x96: {  	_ =	strace s2  }
0x97: {  	_ =	strace $0x8FFFFFFF  }
0x98: {  	s19 =	sld [smem:$0x3FDB];
	_ =	sdelay $0x1  }
0x99: {  	s20 =	simm.s32 $_scs_section_size  }
0x9a: {  	s4 =	simm.s32 $_size__tile_overlayer_lowered;
	s5 =	simm.s32 $_tile_overlayer_lowered  }
0x9b: {  	s6 =	simm.s32 $0x1BFF;
	s21 =	sshll.u32 s5, $0x1;
	s3 =	sadd.s32 s20, s19  }
0x9c: {  	s22 =	simm.s32 $0x0;
	s4 =	sshll.u32 s4, $0x1;
	s5 =	sadd.s32 s21, s3  }
0x9d: {  	[timem:s22], [sflag:s6] =	dma.local [hbm:s5], s4  }
0x9e: {  	_ =	swait.ge [sflag:s6], s4  }
0x9f: {  	s4 =	ssub.s32 $0x0, s4;
	[sflag:s6] =	ssyncset.done $0x0  }
0xa0: {  	[sflag:s6] =	ssyncadd.s32 s4;
	_ =	sdelay $0x1  }
0xa1: {  	s23 =	simm.s32 $0x1B8B  }
0xa2: {  	_ =	swait.ge [sflag:s23], $0x1  }
0xa3: {  	[sflag:s23] =	ssyncset.done $0x0  }
0xa4: {  	[sflag:s23] =	ssyncadd.s32 $0xFFFFFFFF  }
0xa5: {  	s4 =	sld [smem:$0x0]  }
0xa6: {  	s5 =	sand.u32 $0xFFFFFFFE, s1  }
0xa7: {  	p0 =	sne.s32 s1, s5  }
0xa8: {  	s5 =	sshll.u32 @p0 s5, $0xE  }
0xa9: {  	s5 =	sadd.s32 @p0 $0x11B8D, s5;
	s6 =	sshll.u32 @p0 s4, $0x11  }
0xaa: {  	s5 =	sor.u32 @p0 s6, s5  }
0xab: {  	[sflag:s5] =	ssyncadd.remote.s32 @p0 $0x1;
	_ =	sdelay $0x1  }
0xac: {  	s5 =	simm.s32 @p0 $0x1B8D  }
0xad: {  	_ =	swait.eq @p0 [sflag:s5], $0x1  }
0xae: {  	[sflag:s5] =	ssyncadd.s32 @p0 $0xFFFFFFFF  }
0xaf: {  	s6 =	sshll.u32 @!p0 s1, $0xE  }
0xb0: {  	s6 =	sor.u32 @!p0 $0x4000, s6;
	s5 =	simm.s32 @!p0 $0x1B8D  }
0xb1: {  	s4 =	sshll.u32 @!p0 s4, $0x11;
	s6 =	sadd.s32 @!p0 $0x11B8D, s6;
	_ =	swait.eq @!p0 [sflag:s5], $0x1  }
0xb2: {  	s4 =	sor.u32 @!p0 s4, s6;
	[sflag:s5] =	ssyncadd.s32 @!p0 $0xFFFFFFFF  }
0xb3: {  	s25 =	simm.s32 $0x1B8E;
	s24 =	sld [smem:$0x3FFE];
	[sflag:s4] =	ssyncadd.remote.s32 @!p0 $0x1  }
0xb4: {  	s26 =	simm.s32 $execute0_lowered;
	[smem:$0x3FD2] =	sst s25  }
0xb5: {  	s5 =	sshll.u32 s26, $0x1;
	_ =	strace $0x80000049;
	[dreg:$0x1] =	wrdreg $0xFFFFFFFF  }
0xb6: {  	s28 =	simm.s32 $_size_execute0_lowered;
	s3 =	sadd.s32 s3, s5;
	[dreg:$0x0] =	wrdreg $0x0  }
0xb7: {  	s5 =	sshll.u32 s28, $0x1;
	[dreg:$0x2] =	wrdreg s3  }
0xb8: {  	[dreg:$0x3] =	wrdreg s5  }
0xb9: {  	[dreg:$0x4] =	wrdreg $0xC0  }
0xba: {  	_ =	task [dreg:s22], $0x5FFFF  }
0xbb: {  	[dreg:$0x1] =	wrdreg $0xFFFFFFFF  }
0xbc: {  	[dreg:$0x0] =	wrdreg $0x60  }
0xbd: {  	[dreg:$0x2] =	wrdreg s24  }
0xbe: {  	[dreg:$0x3] =	wrdreg $0x40800  }
0xbf: {  	[dreg:$0x4] =	wrdreg $0xA  }
0xc0: {  	_ =	task.clear_ibuf [dreg:s22], $0x5FFFF;
	_ =	strace $0x90000049  }
0xc1: {  	s29 =	simm.s32 $0xA;
	_ =	strace $0x8000004B  }
0xc2: {  	_ =	swait.ge [sflag:s29], $0x1  }
0xc3: {  	[sflag:s29] =	ssyncadd.s32 $0xFFFFFFFF  }
0xc4: {  	_ =	strace $0x9000004B  }
0xc5: {  	_ =	sfence  }
0xc6: {  	s30 =	sld [smem:$0x0];
	_ =	sdelay $0x2  }
0xc7: {  	s31 =	sshll.u32 s1, $0xD;
	s1 =	sshrl.u32 s1, $0x2  }
0xc8: {  	s4 =	sand.u32 $0x4000, s31;
	s1 =	sadd.s32 s1, s30  }
0xc9: {  	s0 =	sor.u32 s4, s0;
	s1 =	sshll.u32 s1, $0x11  }
0xca: {  	s0 =	sor.u32 s1, s0  }
0xcb: {  	s0 =	sadd.s32 $0x8F2B, s0  }
0xcc: {  	[sflag:s0] =	ssyncadd.remote.s32 $0x1  }
0xcd: {  	_ =	sfence.sel $0xFFFF  }
0xce: {  	[dreg:$0x0] =	wrdreg $0xFFFFFFFF;
	(pc) =	sbr.abs _section_cstart, $3  }
0xcf: {  	[dreg:$0x1] =	wrdreg $0xFFFFFFFF  }
0xd0: {  	_ =	task.clear_ibuf [dreg:s22], $0x2FFFF;
	_ =	strace $0x9FFFFFFF  }
0xd1: {  	(tm) =	ssettm $0x7FFFFFFF  }
tec
execute0_lowered:
.L_overlay_start_1:
0x0: {  	(tag) =	ssettag $0x1  }
0x1: {  	s6 =	rddreg [dreg:$0x0]  }
0x2: {  	s2 =	rddreg [dreg:$0x1]  }
0x3: {  	s1 =	stileid.u32;
	s0 =	rddreg [dreg:$0x2]  }
0x4: {  	s3 =	simm.s32 $0x0;
	s5 =	srdreg.scid;
	s4 =	smul.u32 $0x9E0, s1  }
0x5: {  	[smem:$0x7FF] =	sst s3;
	s13 =	sand.u32 $0x1, s5;
	s7 =	smul.u32 $0x50000, s1  }
0x6: {  	s5 =	sadd.s32 $0x84000, s6;
	s10 =	smul.u32 $0x14000, s1;
	s16 =	sadd.s32 $0x84800, s6  }
0x7: {  	_ =	strace $0x8000004A;
	s8 =	ssub.s32 $0x2, s13;
	s19 =	smul.u32 $0x140000, s13  }
0x8: {  	s28 =	smul.u32 $0x4F0, s13;
	s15 =	sadd.s32 s4, s6;
	s4 =	sadd.s32 $0x33800, s6  }
0x9: {  	s26 =	sshrl.u32 s8, $0x1;
	s7 =	sshrl.u32 s7, $0x2;
	s11 =	sadd.s32 $0x4000, s10  }
0xa: {  	s14 =	sadd.s32 $0x8000, s10;
	s18 =	sadd.s32 $0xC000, s10;
	s20 =	sadd.s32 $0x10000, s10  }
0xb: {  	s17 =	ssub.s32 s8, s26;
	s6 =	sadd.s32 s7, s2;
	s7 =	sadd.s32 s11, s2  }
0xc: {  	s8 =	sadd.s32 s14, s2;
	s9 =	sadd.s32 s18, s2;
	s12 =	sadd.s32 s10, s19  }
0xd: {  	s11 =	sadd.s32 s19, s11;
	s10 =	sadd.s32 s20, s2;
	s14 =	sadd.s32 s19, s14  }
0xe: {  	s18 =	sadd.s32 s19, s18;
	s30 =	sadd.s32 s19, s20;
	s31 =	sadd.s32 s28, s15  }
0xf: {  	s19 =	simm.s32 $0x1;
	s20 =	simm.s32 $0x0;
	s12 =	sshrl.u32 s12, $0x3  }
0x10: {  	s21 =	sshrl.u32 s11, $0x3;
	s14 =	sshrl.u32 s14, $0x3;
	s29 =	sshrl.u32 s18, $0x3  }
0x11: {  	s18 =	sshrl.u32 s30, $0x3;
	s11 =	sadd.s32 s16, s12;
	s12 =	sadd.s32 s16, s21  }
0x12: {  	s13 =	sadd.s32 s16, s14;
	s14 =	sadd.s32 s16, s29;
	s15 =	sadd.s32 s16, s18  }
0x13: {  	s16 =	smax.u32 s17, $0x1;
	s17 =	sadd.s32 $0x1A00, s31;
	s18 =	simm.s32 $0x80  }
.LBB2_1:
0x14: {  	[tilespmem:s18], [sflag:$0x1] =	stream.linear.gather [hbm4b:s4+s3], $0x4000, $0x38;
	[tilespmem:$0x18080] =	vst v63  }
0x15: {  	_ =	swait.ge [sflag:s19], $0x4000  }
0x16: {  	[sflag:s19] =	ssyncset.done $0x0  }
0x17: {  	[sflag:s19] =	ssyncadd.s32 $0xFFFFC000  }
0x18: {  	[spmem:s6] =	stream.linear.scatter [tilespmem:s18], [sflag:$0x1], $0x4000, $0x38;
	[tilespmem:$0x18080] =	vst v63  }
0x19: {  	_ =	swait.ge [sflag:s19], $0x4000  }
0x1a: {  	[sflag:s19] =	ssyncset.done $0x0  }
0x1b: {  	[sflag:s19] =	ssyncadd.s32 $0xFFFFC000  }
0x1c: {  	[spmem:s7] =	stream.linear.scatter [tilespmem:s18], [sflag:$0x1], $0x4000, $0x38;
	[tilespmem:$0x18080] =	vst v63  }
0x1d: {  	_ =	swait.ge [sflag:s19], $0x4000  }
0x1e: {  	[sflag:s19] =	ssyncset.done $0x0  }
0x1f: {  	[sflag:s19] =	ssyncadd.s32 $0xFFFFC000  }
0x20: {  	[spmem:s8] =	stream.linear.scatter [tilespmem:s18], [sflag:$0x1], $0x4000, $0x38;
	[tilespmem:$0x18080] =	vst v63  }
0x21: {  	_ =	swait.ge [sflag:s19], $0x4000  }
0x22: {  	[sflag:s19] =	ssyncset.done $0x0  }
0x23: {  	[sflag:s19] =	ssyncadd.s32 $0xFFFFC000  }
0x24: {  	[spmem:s9] =	stream.linear.scatter [tilespmem:s18], [sflag:$0x1], $0x4000, $0x38;
	[tilespmem:$0x18080] =	vst v63  }
0x25: {  	_ =	swait.ge [sflag:s19], $0x4000  }
0x26: {  	[sflag:s19] =	ssyncset.done $0x0  }
0x27: {  	[sflag:s19] =	ssyncadd.s32 $0xFFFFC000  }
0x28: {  	[spmem:s10] =	stream.linear.scatter [tilespmem:s18], [sflag:$0x1], $0x4000, $0x38;
	[tilespmem:$0x18080] =	vst v63  }
0x29: {  	_ =	swait.ge [sflag:s19], $0x4000  }
0x2a: {  	[sflag:s19] =	ssyncset.done $0x0  }
0x2b: {  	[sflag:s19] =	ssyncadd.s32 $0xFFFFC000  }
0x2c: {  	[tilespmem:s18], [sflag:$0x1] =	stream.linear.gather [hbm4b:s5+s3], $0x4000, $0x38;
	[tilespmem:$0x18080] =	vst v63  }
0x2d: {  	_ =	swait.ge [sflag:s19], $0x4000  }
0x2e: {  	[sflag:s19] =	ssyncset.done $0x0  }
0x2f: {  	[sflag:s19] =	ssyncadd.s32 $0xFFFFC000  }
0x30: {  	s21 =	sadd.s32 $0x0, s17;
	[bflag:$0x0] =	sbarrier.arrive $0xFFFF  }
0x31: {  	[tilespmem:s3], [sflag:$0x1] =	stream.linear.gather [hbm4b:s21+s3], $0x80, $0x38;
	[tilespmem:$0x18080] =	vst v63  }
0x32: {  	_ =	swait.ge [sflag:s19], $0x80  }
0x33: {  	[sflag:s19] =	ssyncset.done $0x0  }
0x34: {  	[sflag:s19] =	ssyncadd.s32 $0xFFFFFF80  }
0x35: {  	[spmem:s2] =	stream.indirect.scatter.add.f32 [tilespmem:s18], [sflag:$0x1], $0x80, s3, s18, $0xb8;
	[tilespmem:$0x18080] =	vst v63  }
0x36: {  	_ =	swait.ge [sflag:s19], $0x4000  }
0x37: {  	s22 =	simm.s32 $0x20;
	s21 =	simm.s32 $0x10;
	[sflag:s19] =	ssyncset.done $0x0  }
.LBB2_2:
0x38: {  	s23 =	sadd.s32 s21, s17  }
0x39: {  	[sflag:s19] =	ssyncadd.s32 $0xFFFFC000;
	s21 =	smov.u32 s22;
	s24 =	sadd.s32 $0x10, s22  }
0x3a: {  	[tilespmem:s3], [sflag:$0x1] =	stream.linear.gather [hbm4b:s23+s3], $0x80, $0x38;
	[tilespmem:$0x18080] =	vst v63  }
0x3b: {  	p0 =	sne.s32 s22, $0x4E0;
	_ =	swait.ge [sflag:s19], $0x80  }
.Ltmp0:
0x3c: {  	[sflag:s19] =	ssyncset.done $0x0;
	(pc) =	sbr.rel @p0 .LBB2_2-.Ltmp0, $4  }
0x3d: {  	[sflag:s19] =	ssyncadd.s32 $0xFFFFFF80  }
0x3e: {  	[spmem:s2] =	stream.indirect.scatter.add.f32 [tilespmem:s18], [sflag:$0x1], $0x80, s3, s18, $0xb8;
	[tilespmem:$0x18080] =	vst v63  }
0x3f: {  	_ =	swait.ge [sflag:s19], $0x4000  }
0x40: {  	s22 =	smov.u32 s24;
	[sflag:s19] =	ssyncset.done $0x0  }
0x41: {  	s21 =	sadd.s32 s21, s17;
	[sflag:s19] =	ssyncadd.s32 $0xFFFFC000  }
0x42: {  	[tilespmem:s3], [sflag:$0x1] =	stream.linear.gather [hbm4b:s21+s3], $0x80, $0x38;
	[tilespmem:$0x18080] =	vst v63  }
0x43: {  	_ =	swait.ge [sflag:s19], $0x80  }
0x44: {  	[sflag:s19] =	ssyncset.done $0x0  }
0x45: {  	[sflag:s19] =	ssyncadd.s32 $0xFFFFFF80  }
0x46: {  	[spmem:s2] =	stream.indirect.scatter.add.f32 [tilespmem:s18], [sflag:$0x1], $0x80, s3, s18, $0xb8;
	[tilespmem:$0x18080] =	vst v63  }
0x47: {  	_ =	swait.ge [sflag:s19], $0x4000  }
0x48: {  	[sflag:s19] =	ssyncset.done $0x0  }
0x49: {  	[sflag:s19] =	ssyncadd.s32 $0xFFFFC000  }
0x4a: {  	[bflag:$0x0] =	sbarrier.arrive $0xFFFF  }
0x4b: {  	[tilespmem:s18], [sflag:$0x1] =	stream.linear.gather [spmem:s6], $0x4000, $0x38;
	[tilespmem:$0x18080] =	vst v63  }
0x4c: {  	_ =	swait.ge [sflag:s19], $0x4000  }
0x4d: {  	[sflag:s19] =	ssyncset.done $0x0  }
0x4e: {  	[sflag:s19] =	ssyncadd.s32 $0xFFFFC000  }
0x4f: {  	[hbm4b:s11+s3] =	stream.linear.scatter [tilespmem:s18], [sflag:$0x1], $0x4000, $0x38;
	[tilespmem:$0x18080] =	vst v63  }
0x50: {  	_ =	swait.ge [sflag:s19], $0x4000  }
0x51: {  	[sflag:s19] =	ssyncset.done $0x0  }
0x52: {  	[sflag:s19] =	ssyncadd.s32 $0xFFFFC000  }
0x53: {  	[tilespmem:s18], [sflag:$0x1] =	stream.linear.gather [spmem:s7], $0x4000, $0x38;
	[tilespmem:$0x18080] =	vst v63  }
0x54: {  	_ =	swait.ge [sflag:s19], $0x4000  }
0x55: {  	[sflag:s19] =	ssyncset.done $0x0  }
0x56: {  	[sflag:s19] =	ssyncadd.s32 $0xFFFFC000  }
0x57: {  	[hbm4b:s12+s3] =	stream.linear.scatter [tilespmem:s18], [sflag:$0x1], $0x4000, $0x38;
	[tilespmem:$0x18080] =	vst v63  }
0x58: {  	_ =	swait.ge [sflag:s19], $0x4000  }
0x59: {  	[sflag:s19] =	ssyncset.done $0x0  }
0x5a: {  	[sflag:s19] =	ssyncadd.s32 $0xFFFFC000  }
0x5b: {  	[tilespmem:s18], [sflag:$0x1] =	stream.linear.gather [spmem:s8], $0x4000, $0x38;
	[tilespmem:$0x18080] =	vst v63  }
0x5c: {  	_ =	swait.ge [sflag:s19], $0x4000  }
0x5d: {  	[sflag:s19] =	ssyncset.done $0x0  }
0x5e: {  	[sflag:s19] =	ssyncadd.s32 $0xFFFFC000  }
0x5f: {  	[hbm4b:s13+s3] =	stream.linear.scatter [tilespmem:s18], [sflag:$0x1], $0x4000, $0x38;
	[tilespmem:$0x18080] =	vst v63  }
0x60: {  	_ =	swait.ge [sflag:s19], $0x4000  }
0x61: {  	[sflag:s19] =	ssyncset.done $0x0  }
0x62: {  	[sflag:s19] =	ssyncadd.s32 $0xFFFFC000  }
0x63: {  	[tilespmem:s18], [sflag:$0x1] =	stream.linear.gather [spmem:s9], $0x4000, $0x38;
	[tilespmem:$0x18080] =	vst v63  }
0x64: {  	_ =	swait.ge [sflag:s19], $0x4000  }
0x65: {  	[sflag:s19] =	ssyncset.done $0x0  }
0x66: {  	[sflag:s19] =	ssyncadd.s32 $0xFFFFC000  }
0x67: {  	[hbm4b:s14+s3] =	stream.linear.scatter [tilespmem:s18], [sflag:$0x1], $0x4000, $0x38;
	[tilespmem:$0x18080] =	vst v63  }
0x68: {  	_ =	swait.ge [sflag:s19], $0x4000  }
0x69: {  	[sflag:s19] =	ssyncset.done $0x0  }
0x6a: {  	[sflag:s19] =	ssyncadd.s32 $0xFFFFC000  }
0x6b: {  	[tilespmem:s18], [sflag:$0x1] =	stream.linear.gather [spmem:s10], $0x4000, $0x38;
	[tilespmem:$0x18080] =	vst v63  }
0x6c: {  	s20 =	sadd.s32 $0x1, s20;
	_ =	swait.ge [sflag:s19], $0x4000  }
0x6d: {  	p0 =	sne.s32 s20, s16;
	[sflag:s19] =	ssyncset.done $0x0  }
.Ltmp1:
0x6e: {  	[sflag:s19] =	ssyncadd.s32 $0xFFFFC000;
	(pc) =	sbr.rel @p0 .LBB2_1-.Ltmp1, $4  }
0x6f: {  	[hbm4b:s15+s3] =	stream.linear.scatter [tilespmem:s18], [sflag:$0x1], $0x4000, $0x38;
	[tilespmem:$0x18080] =	vst v63  }
0x70: {  	_ =	swait.ge [sflag:s19], $0x4000  }
0x71: {  	[sflag:s19] =	ssyncset.done $0x0  }
0x72: {  	[sflag:s19] =	ssyncadd.s32 $0xFFFFC000  }
0x73: {  	_ =	sfence.sel $0x180000  }
0x74: {  	[bflag:$0x0] =	sbarrier.arrive $0xFFFF  }
0x75: {  	p0 =	sne.s32 s1, $0x0;
	_ =	strace $0x9000004A  }
0x76: {  	s0 =	sadd.s32 @!p0 $0x100000, s0;
	[bflag:$0x2] =	sbarrier.arrive $0xFFFF  }
0x77: {  	[sflag:s0] =	ssyncadd.tile.s32 @!p0 $0x1;
	_ =	shalt  }
.Lfunc_end2:
_tile_overlayer_lowered:
.L_overlay_start_2:
0x78: {  	(tag) =	ssettag $0x2  }
0x79: {  	s0 =	rddreg [dreg:$0x0];
	s2 =	stileid.u32  }
0x7a: {  	s1 =	rddreg [dreg:$0x1];
	p0 =	sne.s32 s2, $0x0  }
0x7b: {  	s3 =	rddreg [dreg:$0x2];
	[bflag:$0x3] =	sbarrier.arrive $0xFFFF;
	s2 =	simm.s32 @!p0 $0x1C01  }
0x7c: {  	[timem:s3], [sflag:s2] =	dma.local @!p0 [hbm:s0], s1  }
0x7d: {  	s0 =	simm.s32 @!p0 $0x1  }
0x7e: {  	_ =	swait.ge @!p0 [sflag:s0], s1  }
0x7f: {  	s1 =	ssub.s32 @!p0 $0x0, s1;
	[sflag:s0] =	ssyncset.done @!p0 $0x0  }
0x80: {  	[sflag:s0] =	ssyncadd.s32 @!p0 s1  }
0x81: {  	[bflag:$0x3] =	sbarrier.arrive $0xFFFF  }
0x82: {  	_ =	shalt  }

// kernel: kernel.14.cloned.1.call-start
scs
__scs_entry_jumppad:
0x0: {  	(pc) =	sbr.rel $0x88, $3  }
0x1: {  	(tag) =	ssettag $0x0;
	lr =	simm.s32 $0x1  }
0x2: {  	[smem:$0x3F99] =	sst lr;
	_ =	strace $0xD0000000  }
0x3: {  	_ = 	snop  }
0x4: {  	_ = 	snop  }
0x5: {  	_ = 	snop  }
0x6: {  	_ = 	snop  }
0x7: {  	_ = 	snop  }
__scs_overlays_trampoline_lowered:
0x8: {  	[smem:$0x3FA8] =	sst s0  }
0x9: {  	[smem:$0x3FA9] =	sst s1  }
0xa: {  	[smem:$0x3FAA] =	sst s2  }
0xb: {  	[smem:$0x3FAB] =	sst s3  }
0xc: {  	[smem:$0x3FAC] =	sst s4  }
0xd: {  	[smem:$0x3FAD] =	sst s5  }
0xe: {  	[smem:$0x3FAE] =	sst s6  }
0xf: {  	[smem:$0x3FAF] =	sst s7  }
0x10: {  	[smem:$0x3FB0] =	sst s8  }
0x11: {  	[smem:$0x3FB1] =	sst s9;
	s0 =	simm.s32 @!p0 $0x0  }
0x12: {  	s1 =	sld [smem:$0x3F97];
	s0 =	simm.s32 @p0 $0x1  }
0x13: {  	[smem:$0x3FB2] =	sst s0;
	s0 =	simm.s32 @!p1 $0x0  }
0x14: {  	s2 =	sld [smem:$0x3F96];
	s0 =	simm.s32 @p1 $0x1  }
0x15: {  	[smem:$0x3FB3] =	sst s0;
	s0 =	simm.s32 @!p2 $0x0  }
0x16: {  	s3 =	sld [smem:$0x3FDB];
	s0 =	simm.s32 @p2 $0x1  }
0x17: {  	s4 =	simm.s32 $0x1BF5;
	[smem:$0x3FB5] =	sst s0  }
0x18: {  	s0 =	sld [smem:$0x3F98];
	_ =	swait.ge [sflag:s4], $0x0  }
0x19: {  	s7 =	sld [smem:$0x3F99]  }
0x1a: {  	s8 =	sadd.s32 $0xFFFFE003, lr  }
0x1b: {  	s9 =	sadd.s32 $0xFFFFFEF7, lr;
	s5 =	simm.s32 $0xFFFFFFFF;
	p2 =	slt.u32 s8, $0xFFFFF086  }
0x1c: {  	p1 =	slt.u32 s9, $0xF7A;
	s5 =	simm.s32 @!p2 $0x0  }
0x1d: {  	s5 =	simm.s32 @p1 $0x1;
	p0 =	seq.s32 s7, s2  }
0x1e: {  	s7 =	smul.u32 @!p0 $0xF7A, s2;
	p2 =	seq.s32 @!p0 s5, $0x0  }
0x1f: {  	s9 =	smul.u32 $0xF7A, s1;
	s8 =	simm.s32 @!p0 $0x1BF5;
	p2 =	por !p2, p0  }
0x20: {  	[sflag:s8] =	ssyncset.s32 @!p0 $0xFFFFF086;
	s6 =	sadd.s32 @!p0 s3, s7;
	s7 =	simm.s32 @!p0 $0x108  }
0x21: {  	s3 =	sadd.s32 s3, s9;
	s6 =	sadd.s32 @!p0 $0x88, s6;
	s7 =	simm.s32 @p2 $0x1082  }
0x22: {  	[simem:s7], [sflag:s8] =	dma.local @!p0 [hbm:s6], $0xF7A  }
0x23: {  	s9 =	sor.u32 $0xD0000000, s2;
	s6 =	simm.s32 $0x108;
	_ =	swait.ge @!p0 [sflag:s8], $0x0  }
0x24: {  	s3 =	sadd.s32 $0x88, s3;
	s6 =	simm.s32 @!p1 $0x1082;
	[sflag:s4] =	ssyncset.s32 $0xFFFFF086  }
0x25: {  	[simem:s6], [sflag:s4] =	dma.local [hbm:s3], $0xF7A  }
0x26: {  	[smem:$0x3F99] =	sst s1;
	(tag) =	ssettag s2;
	_ =	strace s9  }
0x27: {  	s1 =	sld [smem:$0x3FA9]  }
0x28: {  	s2 =	sld [smem:$0x3FAA]  }
0x29: {  	s4 =	sld [smem:$0x3FAC]  }
0x2a: {  	p0 =	seq.s32 s5, $0x0;
	s5 =	sld [smem:$0x3FAD]  }
0x2b: {  	s6 =	sld [smem:$0x3FAE]  }
0x2c: {  	s7 =	sld [smem:$0x3FAF]  }
0x2d: {  	s3 =	simm.s32 $0x108;
	s8 =	sld [smem:$0x3FB0]  }
0x2e: {  	s3 =	simm.s32 @!p0 $0x1082;
	s9 =	sld [smem:$0x3FB1]  }
0x2f: {  	lr =	sadd.s32 s0, s3;
	s0 =	sld [smem:$0x3FA8]  }
0x30: {  	s3 =	sld [smem:$0x3FAB]  }
0x31: {  	[smem:$0x3FB4] =	sst s10  }
0x32: {  	s10 =	sld [smem:$0x3FB2];
	_ =	sdelay $0x3  }
0x33: {  	p0 =	seq.s32 s10, $0x1;
	s10 =	sld [smem:$0x3FB4];
	_ =	sdelay $0x3  }
0x34: {  	[smem:$0x3FB4] =	sst s10  }
0x35: {  	s10 =	sld [smem:$0x3FB3];
	_ =	sdelay $0x3  }
0x36: {  	p1 =	seq.s32 s10, $0x1;
	s10 =	sld [smem:$0x3FB4];
	_ =	sdelay $0x3  }
0x37: {  	[smem:$0x3FB4] =	sst s10  }
0x38: {  	s10 =	sld [smem:$0x3FB5]  }
0x39: {  	_ = 	snop;
	(pc) =	sbr.ind lr, $3  }
0x3a: {  	_ = 	snop  }
0x3b: {  	_ = 	snop  }
0x3c: {  	p2 =	seq.s32 s10, $0x1;
	s10 =	sld [smem:$0x3FB4]  }
0x3d: {  	_ =	shalt  }
0x3e: {  	_ =	shalt  }
0x3f: {  	_ =	shalt  }
0x40: {  	_ =	shalt  }
0x41: {  	_ =	shalt  }
0x42: {  	_ =	shalt  }
0x43: {  	_ =	shalt  }
0x44: {  	_ =	shalt  }
0x45: {  	_ =	shalt  }
0x46: {  	_ =	shalt  }
0x47: {  	_ =	shalt  }
0x48: {  	_ =	shalt  }
0x49: {  	_ =	shalt  }
0x4a: {  	_ =	shalt  }
0x4b: {  	_ =	shalt  }
0x4c: {  	_ =	shalt  }
0x4d: {  	_ =	shalt  }
0x4e: {  	_ =	shalt  }
0x4f: {  	_ =	shalt  }
0x50: {  	_ =	shalt  }
0x51: {  	_ =	shalt  }
0x52: {  	_ =	shalt  }
0x53: {  	_ =	shalt  }
0x54: {  	_ =	shalt  }
0x55: {  	_ =	shalt  }
0x56: {  	_ =	shalt  }
0x57: {  	_ =	shalt  }
0x58: {  	_ =	shalt  }
0x59: {  	_ =	shalt  }
0x5a: {  	_ =	shalt  }
0x5b: {  	_ =	shalt  }
0x5c: {  	_ =	shalt  }
0x5d: {  	_ =	shalt  }
0x5e: {  	_ =	shalt  }
0x5f: {  	_ =	shalt  }
0x60: {  	_ =	shalt  }
0x61: {  	_ =	shalt  }
0x62: {  	_ =	shalt  }
0x63: {  	_ =	shalt  }
0x64: {  	_ =	shalt  }
0x65: {  	_ =	shalt  }
0x66: {  	_ =	shalt  }
0x67: {  	_ =	shalt  }
0x68: {  	_ =	shalt  }
0x69: {  	_ =	shalt  }
0x6a: {  	_ =	shalt  }
0x6b: {  	_ =	shalt  }
0x6c: {  	_ =	shalt  }
0x6d: {  	_ =	shalt  }
0x6e: {  	_ =	shalt  }
0x6f: {  	_ =	shalt  }
0x70: {  	_ =	shalt  }
0x71: {  	_ =	shalt  }
0x72: {  	_ =	shalt  }
0x73: {  	_ =	shalt  }
0x74: {  	_ =	shalt  }
0x75: {  	_ =	shalt  }
0x76: {  	_ =	shalt  }
0x77: {  	_ =	shalt  }
0x78: {  	_ =	shalt  }
0x79: {  	_ =	shalt  }
0x7a: {  	_ =	shalt  }
0x7b: {  	_ =	shalt  }
0x7c: {  	_ =	shalt  }
0x7d: {  	_ =	shalt  }
0x7e: {  	_ =	shalt  }
0x7f: {  	_ =	shalt  }
0x80: {  	_ =	shalt  }
0x81: {  	_ =	shalt  }
0x82: {  	_ =	shalt  }
0x83: {  	_ =	shalt  }
0x84: {  	_ =	shalt  }
0x85: {  	_ =	shalt  }
0x86: {  	_ =	shalt  }
0x87: {  	_ =	shalt  }
.Lfunc_end0:
.L_simem_size_0:
called_computation.2_lowered:
.L_overlay_start_0:
0x88: {  	s2 =	sld [smem:$0x3FD9]  }
0x89: {  	s3 =	sld [smem:$0x3FFE];
	_ =	sdelay $0x1  }
0x8a: {  	s1 =	srdreg.scid  }
0x8b: {  	s0 =	sand.u32 $0x1, s1  }
0x8c: {  	s17 =	sshll.u32 s0, $0xA;
	s2 =	sadd.s32 s3, s2  }
0x8d: {  	s2 =	sadd.s32 s2, s17  }
0x8e: {  	[smem:$0x3FC0] =	sst s2  }
0x8f: {  	_ = 	snop  }
0x90: {  	s2 =	sld [smem:$0x3FD0];
	(tm) =	ssettm $0x1  }
0x91: {  	s18 =	sld [smem:$0x3FFB];
	_ =	sdelay $0x3  }
0x92: {  	_ =	strace s18  }
0x93: {  	s3 =	sld [smem:$0x3FFC];
	_ =	sdelay $0x3  }
0x94: {  	_ =	strace s3  }
0x95: {  	s3 =	sld [smem:$0x3FFD];
	_ =	sdelay $0x3  }
0x96: {  	_ =	strace s3  }
0x97: {  	_ =	strace $0x8FFFFFFF  }
0x98: {  	s19 =	sld [smem:$0x3FDB];
	_ =	sdelay $0x1  }
0x99: {  	s4 =	simm.s32 $_scs_section_size  }
0x9a: {  	s5 =	simm.s32 $_size__tile_overlayer_lowered;
	s6 =	simm.s32 $_tile_overlayer_lowered  }
0x9b: {  	s22 =	simm.s32 $0x1BFF;
	s21 =	sshll.u32 s6, $0x1;
	s3 =	sadd.s32 s4, s19  }
0x9c: {  	s7 =	simm.s32 $0x0;
	s20 =	sshll.u32 s5, $0x1;
	s5 =	sadd.s32 s21, s3  }
0x9d: {  	[timem:s7], [sflag:s22] =	dma.local [hbm:s5], s20  }
0x9e: {  	_ =	swait.ge [sflag:s22], s20  }
0x9f: {  	s4 =	ssub.s32 $0x0, s20;
	[sflag:s22] =	ssyncset.done $0x0  }
0xa0: {  	[sflag:s22] =	ssyncadd.s32 s4;
	_ =	sdelay $0x1  }
0xa1: {  	s23 =	simm.s32 $0x1B8B  }
0xa2: {  	_ =	swait.ge [sflag:s23], $0x1  }
0xa3: {  	[sflag:s23] =	ssyncset.done $0x0  }
0xa4: {  	s25 =	simm.s32 $0x1B8E;
	s24 =	sld [smem:$0x3FFE];
	[sflag:s23] =	ssyncadd.s32 $0xFFFFFFFF  }
0xa5: {  	s26 =	simm.s32 $execute0_lowered;
	[smem:$0x3FD2] =	sst s25  }
0xa6: {  	s5 =	sshll.u32 s26, $0x1;
	_ =	strace $0x8000004C;
	[dreg:$0x1] =	wrdreg $0xFFFFFFFF  }
0xa7: {  	s28 =	simm.s32 $_size_execute0_lowered;
	s3 =	sadd.s32 s3, s5;
	[dreg:$0x0] =	wrdreg $0x0  }
0xa8: {  	s5 =	sshll.u32 s28, $0x1;
	[dreg:$0x2] =	wrdreg s3  }
0xa9: {  	[dreg:$0x3] =	wrdreg s5  }
0xaa: {  	[dreg:$0x4] =	wrdreg $0xC0  }
0xab: {  	_ =	task [dreg:s7], $0x5FFFF  }
0xac: {  	[dreg:$0x1] =	wrdreg $0xFFFFFFFF  }
0xad: {  	[dreg:$0x0] =	wrdreg $0x60  }
0xae: {  	[dreg:$0x2] =	wrdreg s24  }
0xaf: {  	[dreg:$0x3] =	wrdreg s2  }
0xb0: {  	[dreg:$0x4] =	wrdreg $0x41000  }
0xb1: {  	[dreg:$0x5] =	wrdreg $0x9  }
0xb2: {  	_ =	task.clear_ibuf [dreg:s7], $0x6FFFF;
	_ =	strace $0x9000004C  }
0xb3: {  	s29 =	simm.s32 $0x9;
	_ =	strace $0x8000004E  }
0xb4: {  	_ =	swait.ge [sflag:s29], $0x1  }
0xb5: {  	[sflag:s29] =	ssyncadd.s32 $0xFFFFFFFF  }
0xb6: {  	_ =	strace $0x9000004E  }
0xb7: {  	_ =	sfence  }
0xb8: {  	s30 =	sld [smem:$0x0];
	_ =	sdelay $0x2  }
0xb9: {  	s31 =	sshll.u32 s1, $0xD;
	s1 =	sshrl.u32 s1, $0x2  }
0xba: {  	s3 =	sand.u32 $0x4000, s31;
	s1 =	sadd.s32 s1, s30  }
0xbb: {  	s0 =	sor.u32 s3, s0;
	s1 =	sshll.u32 s1, $0x11  }
0xbc: {  	s0 =	sor.u32 s1, s0  }
0xbd: {  	s0 =	sadd.s32 $0x8F2B, s0  }
0xbe: {  	[sflag:s0] =	ssyncadd.remote.s32 $0x1  }
0xbf: {  	_ =	sfence.sel $0xFFFF  }
0xc0: {  	[dreg:$0x0] =	wrdreg $0xFFFFFFFF;
	(pc) =	sbr.abs _section_cstart, $3  }
0xc1: {  	[dreg:$0x1] =	wrdreg $0xFFFFFFFF  }
0xc2: {  	_ =	task.clear_ibuf [dreg:s7], $0x2FFFF;
	_ =	strace $0x9FFFFFFF  }
0xc3: {  	(tm) =	ssettm $0x7FFFFFFF  }
tec
execute0_lowered:
.L_overlay_start_1:
0x0: {  	(tag) =	ssettag $0x1  }
0x1: {  	s7 =	rddreg [dreg:$0x0]  }
0x2: {  	s1 =	srdreg.scid;
	s2 =	rddreg [dreg:$0x1]  }
0x3: {  	s0 =	stileid.u32;
	s3 =	rddreg [dreg:$0x2];
	s4 =	simm.s32 $0x0  }
0x4: {  	s25 =	simm.s32 $0x2;
	s26 =	simm.s32 $0x0;
	s5 =	smul.u32 $0x4F00, s0  }
0x5: {  	s10 =	sand.u32 $0x1, s1;
	s1 =	rddreg [dreg:$0x3];
	s9 =	smul.u32 $0x50000, s0  }
0x6: {  	[smem:$0x7FF] =	sst s4;
	s12 =	smul.u32 $0x14000, s0;
	s17 =	sadd.s32 $0x34000, s7  }
0x7: {  	s29 =	sshll.u32 s0, $0x1;
	s6 =	smul.u32 $0x2780, s10;
	_ =	strace $0x8000004D  }
0x8: {  	s8 =	ssub.s32 $0x2, s10;
	s30 =	sor.u32 s10, s29;
	s21 =	smul.u32 $0x140000, s10  }
0x9: {  	s11 =	sshrl.u32 s8, $0x1;
	s31 =	sshrl.u32 s9, $0x2;
	s13 =	sadd.s32 $0x4000, s12  }
0xa: {  	s15 =	sadd.s32 $0x8000, s12;
	s16 =	sadd.s32 $0xC000, s12;
	s22 =	sadd.s32 $0x10000, s12  }
0xb: {  	s14 =	smul.u32 $0x2780, s30;
	s20 =	sadd.s32 s6, s5;
	s5 =	sadd.s32 $0xB800, s7  }
0xc: {  	s18 =	ssub.s32 s8, s11;
	s8 =	sadd.s32 s13, s3;
	s9 =	sadd.s32 s15, s3  }
0xd: {  	s10 =	sadd.s32 s16, s3;
	s11 =	sadd.s32 s22, s3;
	s12 =	sadd.s32 s12, s21  }
0xe: {  	s13 =	sadd.s32 s21, s13;
	s15 =	sadd.s32 s21, s15;
	s16 =	sadd.s32 s21, s16  }
0xf: {  	s21 =	sadd.s32 s21, s22;
	s22 =	simm.s32 $0x3;
	s6 =	sshrl.u32 s20, $0x3  }
0x10: {  	s14 =	sshrl.u32 s14, $0x3;
	s23 =	sshrl.u32 s12, $0x3;
	s24 =	sshrl.u32 s13, $0x3  }
0x11: {  	s15 =	sshrl.u32 s15, $0x3;
	s16 =	sshrl.u32 s16, $0x3;
	s21 =	sshrl.u32 s21, $0x3  }
0x12: {  	s18 =	smax.u32 s18, $0x1;
	s20 =	sadd.s32 $0x80, s20;
	s19 =	sadd.s32 s6, s7  }
0x13: {  	s6 =	sadd.s32 $0x33800, s7;
	s7 =	sadd.s32 s31, s3;
	s12 =	sadd.s32 s2, s14  }
0x14: {  	s13 =	sadd.s32 s17, s23;
	s14 =	sadd.s32 s17, s24;
	s15 =	sadd.s32 s17, s15  }
0x15: {  	s16 =	sadd.s32 s17, s16;
	s17 =	sadd.s32 s17, s21;
	s21 =	simm.s32 $0x100  }
0x16: {  	s23 =	simm.s32 $0x80;
	s24 =	simm.s32 $0x1;
	s19 =	sadd.s32 $0x1A00, s19  }
.LBB2_1:
0x17: {  	[tilespmem:s21], [sflag:$0x3] =	stream.linear.gather [hbm4b:s6+s4], $0x4000, $0x38;
	[tilespmem:$0x18100] =	vst v63  }
0x18: {  	_ =	swait.ge [sflag:s22], $0x4000  }
0x19: {  	[sflag:s22] =	ssyncset.done $0x0  }
0x1a: {  	[sflag:s22] =	ssyncadd.s32 $0xFFFFC000  }
0x1b: {  	[spmem:s7] =	stream.linear.scatter [tilespmem:s21], [sflag:$0x3], $0x4000, $0x38;
	[tilespmem:$0x18100] =	vst v63  }
0x1c: {  	_ =	swait.ge [sflag:s22], $0x4000  }
0x1d: {  	[sflag:s22] =	ssyncset.done $0x0  }
0x1e: {  	[sflag:s22] =	ssyncadd.s32 $0xFFFFC000  }
0x1f: {  	[spmem:s8] =	stream.linear.scatter [tilespmem:s21], [sflag:$0x3], $0x4000, $0x38;
	[tilespmem:$0x18100] =	vst v63  }
0x20: {  	_ =	swait.ge [sflag:s22], $0x4000  }
0x21: {  	[sflag:s22] =	ssyncset.done $0x0  }
0x22: {  	[sflag:s22] =	ssyncadd.s32 $0xFFFFC000  }
0x23: {  	[spmem:s9] =	stream.linear.scatter [tilespmem:s21], [sflag:$0x3], $0x4000, $0x38;
	[tilespmem:$0x18100] =	vst v63  }
0x24: {  	_ =	swait.ge [sflag:s22], $0x4000  }
0x25: {  	[sflag:s22] =	ssyncset.done $0x0  }
0x26: {  	[sflag:s22] =	ssyncadd.s32 $0xFFFFC000  }
0x27: {  	[spmem:s10] =	stream.linear.scatter [tilespmem:s21], [sflag:$0x3], $0x4000, $0x38;
	[tilespmem:$0x18100] =	vst v63  }
0x28: {  	_ =	swait.ge [sflag:s22], $0x4000  }
0x29: {  	[sflag:s22] =	ssyncset.done $0x0  }
0x2a: {  	[sflag:s22] =	ssyncadd.s32 $0xFFFFC000  }
0x2b: {  	[spmem:s11] =	stream.linear.scatter [tilespmem:s21], [sflag:$0x3], $0x4000, $0x38;
	[tilespmem:$0x18100] =	vst v63  }
0x2c: {  	_ =	swait.ge [sflag:s22], $0x4000  }
0x2d: {  	[sflag:s22] =	ssyncset.done $0x0  }
0x2e: {  	[sflag:s22] =	ssyncadd.s32 $0xFFFFC000  }
0x2f: {  	[bflag:$0x0] =	sbarrier.arrive $0xFFFF  }
0x30: {  	[tilespmem:s4], [sflag:$0x3] =	stream.linear.gather [hbm4b:s12+s4], $0x80, $0x38;
	[tilespmem:$0x18100] =	vst v63  }
0x31: {  	_ =	swait.ge [sflag:s22], $0x80  }
0x32: {  	[sflag:s22] =	ssyncset.done $0x0  }
0x33: {  	[sflag:s22] =	ssyncadd.s32 $0xFFFFFF80  }
0x34: {  	[tilespmem:s21], [sflag:$0x1] =	stream.indirect.gather [hbm4b:s5+s23], $0x80, s4, s23, $0xb8;
	[tilespmem:$0x18100] =	vst v63  }
0x35: {  	s28 =	sadd.s32 $0x0, s19  }
0x36: {  	[tilespmem:s23], [sflag:$0x3] =	stream.linear.gather [hbm4b:s28+s4], $0x80, $0x38;
	[tilespmem:$0x18100] =	vst v63  }
0x37: {  	_ =	swait.ge [sflag:s22], $0x80  }
0x38: {  	[sflag:s22] =	ssyncset.done $0x0  }
0x39: {  	[sflag:s22] =	ssyncadd.s32 $0xFFFFFF80  }
0x3a: {  	_ =	swait.ge [sflag:s24], $0x4000  }
0x3b: {  	[sflag:s24] =	ssyncset.done $0x0  }
0x3c: {  	s28 =	sshrl.u32 s20, $0x3;
	[sflag:s24] =	ssyncadd.s32 $0xFFFFC000  }
0x3d: {  	[spmem:s3] =	stream.indirect.scatter.add.f32 [tilespmem:s21], [sflag:$0x2], $0x80, s23, s23, $0xb8;
	[tilespmem:$0x18100] =	vst v63  }
0x3e: {  	s28 =	sadd.s32 s2, s28  }
0x3f: {  	[tilespmem:s4], [sflag:$0x3] =	stream.linear.gather [hbm4b:s28+s4], $0x80, $0x38;
	[tilespmem:$0x18100] =	vst v63  }
0x40: {  	_ =	swait.ge [sflag:s22], $0x80  }
0x41: {  	[sflag:s22] =	ssyncset.done $0x0  }
0x42: {  	[sflag:s22] =	ssyncadd.s32 $0xFFFFFF80  }
0x43: {  	_ =	swait.ge [sflag:s25], $0x4000  }
0x44: {  	s29 =	smov.u32 s20;
	s28 =	simm.s32 $0x10;
	[sflag:s25] =	ssyncset.done $0x0  }
.LBB2_2:
0x45: {  	p0 =	sne.s32 s28, $0x4E0;
	[sflag:s25] =	ssyncadd.s32 $0xFFFFC000;
	s29 =	sadd.s32 $0x80, s29  }
0x46: {  	[tilespmem:s21], [sflag:$0x1] =	stream.indirect.gather [hbm4b:s5+s23], $0x80, s4, s23, $0xb8;
	[tilespmem:$0x18100] =	vst v63  }
0x47: {  	s30 =	sadd.s32 s28, s19;
	s28 =	sadd.s32 $0x10, s28  }
0x48: {  	[tilespmem:s23], [sflag:$0x3] =	stream.linear.gather [hbm4b:s30+s4], $0x80, $0x38;
	[tilespmem:$0x18100] =	vst v63  }
0x49: {  	_ =	swait.ge [sflag:s22], $0x80  }
0x4a: {  	[sflag:s22] =	ssyncset.done $0x0  }
0x4b: {  	[sflag:s22] =	ssyncadd.s32 $0xFFFFFF80  }
0x4c: {  	_ =	swait.ge [sflag:s24], $0x4000  }
0x4d: {  	[sflag:s24] =	ssyncset.done $0x0  }
0x4e: {  	s30 =	sshrl.u32 s29, $0x3;
	[sflag:s24] =	ssyncadd.s32 $0xFFFFC000  }
0x4f: {  	[spmem:s3] =	stream.indirect.scatter.add.f32 [tilespmem:s21], [sflag:$0x2], $0x80, s23, s23, $0xb8;
	[tilespmem:$0x18100] =	vst v63  }
0x50: {  	s30 =	sadd.s32 s2, s30  }
0x51: {  	[tilespmem:s4], [sflag:$0x3] =	stream.linear.gather [hbm4b:s30+s4], $0x80, $0x38;
	[tilespmem:$0x18100] =	vst v63  }
.Ltmp0:
0x52: {  	_ =	swait.ge [sflag:s22], $0x80;
	(pc) =	sbr.rel @p0 .LBB2_2-.Ltmp0, $4  }
0x53: {  	[sflag:s22] =	ssyncset.done $0x0  }
0x54: {  	[sflag:s22] =	ssyncadd.s32 $0xFFFFFF80  }
0x55: {  	_ =	swait.ge [sflag:s25], $0x4000  }
0x56: {  	[sflag:s25] =	ssyncset.done $0x0  }
0x57: {  	[sflag:s25] =	ssyncadd.s32 $0xFFFFC000  }
0x58: {  	[bflag:$0x0] =	sbarrier.arrive $0xFFFF  }
0x59: {  	[tilespmem:s21], [sflag:$0x3] =	stream.linear.gather [spmem:s7], $0x4000, $0x38;
	[tilespmem:$0x18100] =	vst v63  }
0x5a: {  	_ =	swait.ge [sflag:s22], $0x4000  }
0x5b: {  	[sflag:s22] =	ssyncset.done $0x0  }
0x5c: {  	[sflag:s22] =	ssyncadd.s32 $0xFFFFC000  }
0x5d: {  	[hbm4b:s13+s4] =	stream.linear.scatter [tilespmem:s21], [sflag:$0x3], $0x4000, $0x38;
	[tilespmem:$0x18100] =	vst v63  }
0x5e: {  	_ =	swait.ge [sflag:s22], $0x4000  }
0x5f: {  	[sflag:s22] =	ssyncset.done $0x0  }
0x60: {  	[sflag:s22] =	ssyncadd.s32 $0xFFFFC000  }
0x61: {  	[tilespmem:s21], [sflag:$0x3] =	stream.linear.gather [spmem:s8], $0x4000, $0x38;
	[tilespmem:$0x18100] =	vst v63  }
0x62: {  	_ =	swait.ge [sflag:s22], $0x4000  }
0x63: {  	[sflag:s22] =	ssyncset.done $0x0  }
0x64: {  	[sflag:s22] =	ssyncadd.s32 $0xFFFFC000  }
0x65: {  	[hbm4b:s14+s4] =	stream.linear.scatter [tilespmem:s21], [sflag:$0x3], $0x4000, $0x38;
	[tilespmem:$0x18100] =	vst v63  }
0x66: {  	_ =	swait.ge [sflag:s22], $0x4000  }
0x67: {  	[sflag:s22] =	ssyncset.done $0x0  }
0x68: {  	[sflag:s22] =	ssyncadd.s32 $0xFFFFC000  }
0x69: {  	[tilespmem:s21], [sflag:$0x3] =	stream.linear.gather [spmem:s9], $0x4000, $0x38;
	[tilespmem:$0x18100] =	vst v63  }
0x6a: {  	_ =	swait.ge [sflag:s22], $0x4000  }
0x6b: {  	[sflag:s22] =	ssyncset.done $0x0  }
0x6c: {  	[sflag:s22] =	ssyncadd.s32 $0xFFFFC000  }
0x6d: {  	[hbm4b:s15+s4] =	stream.linear.scatter [tilespmem:s21], [sflag:$0x3], $0x4000, $0x38;
	[tilespmem:$0x18100] =	vst v63  }
0x6e: {  	_ =	swait.ge [sflag:s22], $0x4000  }
0x6f: {  	[sflag:s22] =	ssyncset.done $0x0  }
0x70: {  	[sflag:s22] =	ssyncadd.s32 $0xFFFFC000  }
0x71: {  	[tilespmem:s21], [sflag:$0x3] =	stream.linear.gather [spmem:s10], $0x4000, $0x38;
	[tilespmem:$0x18100] =	vst v63  }
0x72: {  	_ =	swait.ge [sflag:s22], $0x4000  }
0x73: {  	[sflag:s22] =	ssyncset.done $0x0  }
0x74: {  	[sflag:s22] =	ssyncadd.s32 $0xFFFFC000  }
0x75: {  	[hbm4b:s16+s4] =	stream.linear.scatter [tilespmem:s21], [sflag:$0x3], $0x4000, $0x38;
	[tilespmem:$0x18100] =	vst v63  }
0x76: {  	_ =	swait.ge [sflag:s22], $0x4000  }
0x77: {  	[sflag:s22] =	ssyncset.done $0x0  }
0x78: {  	[sflag:s22] =	ssyncadd.s32 $0xFFFFC000  }
0x79: {  	[tilespmem:s21], [sflag:$0x3] =	stream.linear.gather [spmem:s11], $0x4000, $0x38;
	[tilespmem:$0x18100] =	vst v63  }
0x7a: {  	s26 =	sadd.s32 $0x1, s26;
	_ =	swait.ge [sflag:s22], $0x4000  }
0x7b: {  	p0 =	sne.s32 s26, s18;
	[sflag:s22] =	ssyncset.done $0x0  }
.Ltmp1:
0x7c: {  	[sflag:s22] =	ssyncadd.s32 $0xFFFFC000;
	(pc) =	sbr.rel @p0 .LBB2_1-.Ltmp1, $4  }
0x7d: {  	[hbm4b:s17+s4] =	stream.linear.scatter [tilespmem:s21], [sflag:$0x3], $0x4000, $0x38;
	[tilespmem:$0x18100] =	vst v63  }
0x7e: {  	_ =	swait.ge [sflag:s22], $0x4000  }
0x7f: {  	[sflag:s22] =	ssyncset.done $0x0  }
0x80: {  	[sflag:s22] =	ssyncadd.s32 $0xFFFFC000  }
0x81: {  	_ =	sfence.sel $0x180000  }
0x82: {  	[bflag:$0x0] =	sbarrier.arrive $0xFFFF  }
0x83: {  	p0 =	sne.s32 s0, $0x0;
	_ =	strace $0x9000004D  }
0x84: {  	s0 =	sadd.s32 @!p0 $0x100000, s1;
	[bflag:$0x2] =	sbarrier.arrive $0xFFFF  }
0x85: {  	[sflag:s0] =	ssyncadd.tile.s32 @!p0 $0x1;
	_ =	shalt  }
.Lfunc_end2:
_tile_overlayer_lowered:
.L_overlay_start_2:
0x86: {  	(tag) =	ssettag $0x2  }
0x87: {  	s0 =	rddreg [dreg:$0x0];
	s2 =	stileid.u32  }
0x88: {  	s1 =	rddreg [dreg:$0x1];
	p0 =	sne.s32 s2, $0x0  }
0x89: {  	s3 =	rddreg [dreg:$0x2];
	[bflag:$0x3] =	sbarrier.arrive $0xFFFF;
	s2 =	simm.s32 @!p0 $0x1C03  }
0x8a: {  	[timem:s3], [sflag:s2] =	dma.local @!p0 [hbm:s0], s1  }
0x8b: {  	s0 =	simm.s32 @!p0 $0x3  }
0x8c: {  	_ =	swait.ge @!p0 [sflag:s0], s1  }
0x8d: {  	s1 =	ssub.s32 @!p0 $0x0, s1;
	[sflag:s0] =	ssyncset.done @!p0 $0x0  }
0x8e: {  	[sflag:s0] =	ssyncadd.s32 @!p0 s1  }
0x8f: {  	[bflag:$0x3] =	sbarrier.arrive $0xFFFF  }
0x90: {  	_ =	shalt  }

// kernel: kernel.8.cloned.1.call-start
scs
__scs_entry_jumppad:
0x0: {  	(pc) =	sbr.rel $0x88, $3  }
0x1: {  	(tag) =	ssettag $0x0;
	lr =	simm.s32 $0x1  }
0x2: {  	[smem:$0x3F99] =	sst lr;
	_ =	strace $0xD0000000  }
0x3: {  	_ = 	snop  }
0x4: {  	_ = 	snop  }
0x5: {  	_ = 	snop  }
0x6: {  	_ = 	snop  }
0x7: {  	_ = 	snop  }
__scs_overlays_trampoline_lowered:
0x8: {  	[smem:$0x3FA8] =	sst s0  }
0x9: {  	[smem:$0x3FA9] =	sst s1  }
0xa: {  	[smem:$0x3FAA] =	sst s2  }
0xb: {  	[smem:$0x3FAB] =	sst s3  }
0xc: {  	[smem:$0x3FAC] =	sst s4  }
0xd: {  	[smem:$0x3FAD] =	sst s5  }
0xe: {  	[smem:$0x3FAE] =	sst s6  }
0xf: {  	[smem:$0x3FAF] =	sst s7  }
0x10: {  	[smem:$0x3FB0] =	sst s8  }
0x11: {  	[smem:$0x3FB1] =	sst s9;
	s0 =	simm.s32 @!p0 $0x0  }
0x12: {  	s1 =	sld [smem:$0x3F97];
	s0 =	simm.s32 @p0 $0x1  }
0x13: {  	[smem:$0x3FB2] =	sst s0;
	s0 =	simm.s32 @!p1 $0x0  }
0x14: {  	s2 =	sld [smem:$0x3F96];
	s0 =	simm.s32 @p1 $0x1  }
0x15: {  	[smem:$0x3FB3] =	sst s0;
	s0 =	simm.s32 @!p2 $0x0  }
0x16: {  	s3 =	sld [smem:$0x3FDB];
	s0 =	simm.s32 @p2 $0x1  }
0x17: {  	s4 =	simm.s32 $0x1BF5;
	[smem:$0x3FB5] =	sst s0  }
0x18: {  	s0 =	sld [smem:$0x3F98];
	_ =	swait.ge [sflag:s4], $0x0  }
0x19: {  	s7 =	sld [smem:$0x3F99]  }
0x1a: {  	s8 =	sadd.s32 $0xFFFFE003, lr  }
0x1b: {  	s9 =	sadd.s32 $0xFFFFFEF7, lr;
	s5 =	simm.s32 $0xFFFFFFFF;
	p2 =	slt.u32 s8, $0xFFFFF086  }
0x1c: {  	p1 =	slt.u32 s9, $0xF7A;
	s5 =	simm.s32 @!p2 $0x0  }
0x1d: {  	s5 =	simm.s32 @p1 $0x1;
	p0 =	seq.s32 s7, s2  }
0x1e: {  	s7 =	smul.u32 @!p0 $0xF7A, s2;
	p2 =	seq.s32 @!p0 s5, $0x0  }
0x1f: {  	s9 =	smul.u32 $0xF7A, s1;
	s8 =	simm.s32 @!p0 $0x1BF5;
	p2 =	por !p2, p0  }
0x20: {  	[sflag:s8] =	ssyncset.s32 @!p0 $0xFFFFF086;
	s6 =	sadd.s32 @!p0 s3, s7;
	s7 =	simm.s32 @!p0 $0x108  }
0x21: {  	s3 =	sadd.s32 s3, s9;
	s6 =	sadd.s32 @!p0 $0x88, s6;
	s7 =	simm.s32 @p2 $0x1082  }
0x22: {  	[simem:s7], [sflag:s8] =	dma.local @!p0 [hbm:s6], $0xF7A  }
0x23: {  	s9 =	sor.u32 $0xD0000000, s2;
	s6 =	simm.s32 $0x108;
	_ =	swait.ge @!p0 [sflag:s8], $0x0  }
0x24: {  	s3 =	sadd.s32 $0x88, s3;
	s6 =	simm.s32 @!p1 $0x1082;
	[sflag:s4] =	ssyncset.s32 $0xFFFFF086  }
0x25: {  	[simem:s6], [sflag:s4] =	dma.local [hbm:s3], $0xF7A  }
0x26: {  	[smem:$0x3F99] =	sst s1;
	(tag) =	ssettag s2;
	_ =	strace s9  }
0x27: {  	s1 =	sld [smem:$0x3FA9]  }
0x28: {  	s2 =	sld [smem:$0x3FAA]  }
0x29: {  	s4 =	sld [smem:$0x3FAC]  }
0x2a: {  	p0 =	seq.s32 s5, $0x0;
	s5 =	sld [smem:$0x3FAD]  }
0x2b: {  	s6 =	sld [smem:$0x3FAE]  }
0x2c: {  	s7 =	sld [smem:$0x3FAF]  }
0x2d: {  	s3 =	simm.s32 $0x108;
	s8 =	sld [smem:$0x3FB0]  }
0x2e: {  	s3 =	simm.s32 @!p0 $0x1082;
	s9 =	sld [smem:$0x3FB1]  }
0x2f: {  	lr =	sadd.s32 s0, s3;
	s0 =	sld [smem:$0x3FA8]  }
0x30: {  	s3 =	sld [smem:$0x3FAB]  }
0x31: {  	[smem:$0x3FB4] =	sst s10  }
0x32: {  	s10 =	sld [smem:$0x3FB2];
	_ =	sdelay $0x3  }
0x33: {  	p0 =	seq.s32 s10, $0x1;
	s10 =	sld [smem:$0x3FB4];
	_ =	sdelay $0x3  }
0x34: {  	[smem:$0x3FB4] =	sst s10  }
0x35: {  	s10 =	sld [smem:$0x3FB3];
	_ =	sdelay $0x3  }
0x36: {  	p1 =	seq.s32 s10, $0x1;
	s10 =	sld [smem:$0x3FB4];
	_ =	sdelay $0x3  }
0x37: {  	[smem:$0x3FB4] =	sst s10  }
0x38: {  	s10 =	sld [smem:$0x3FB5]  }
0x39: {  	_ = 	snop;
	(pc) =	sbr.ind lr, $3  }
0x3a: {  	_ = 	snop  }
0x3b: {  	_ = 	snop  }
0x3c: {  	p2 =	seq.s32 s10, $0x1;
	s10 =	sld [smem:$0x3FB4]  }
0x3d: {  	_ =	shalt  }
0x3e: {  	_ =	shalt  }
0x3f: {  	_ =	shalt  }
0x40: {  	_ =	shalt  }
0x41: {  	_ =	shalt  }
0x42: {  	_ =	shalt  }
0x43: {  	_ =	shalt  }
0x44: {  	_ =	shalt  }
0x45: {  	_ =	shalt  }
0x46: {  	_ =	shalt  }
0x47: {  	_ =	shalt  }
0x48: {  	_ =	shalt  }
0x49: {  	_ =	shalt  }
0x4a: {  	_ =	shalt  }
0x4b: {  	_ =	shalt  }
0x4c: {  	_ =	shalt  }
0x4d: {  	_ =	shalt  }
0x4e: {  	_ =	shalt  }
0x4f: {  	_ =	shalt  }
0x50: {  	_ =	shalt  }
0x51: {  	_ =	shalt  }
0x52: {  	_ =	shalt  }
0x53: {  	_ =	shalt  }
0x54: {  	_ =	shalt  }
0x55: {  	_ =	shalt  }
0x56: {  	_ =	shalt  }
0x57: {  	_ =	shalt  }
0x58: {  	_ =	shalt  }
0x59: {  	_ =	shalt  }
0x5a: {  	_ =	shalt  }
0x5b: {  	_ =	shalt  }
0x5c: {  	_ =	shalt  }
0x5d: {  	_ =	shalt  }
0x5e: {  	_ =	shalt  }
0x5f: {  	_ =	shalt  }
0x60: {  	_ =	shalt  }
0x61: {  	_ =	shalt  }
0x62: {  	_ =	shalt  }
0x63: {  	_ =	shalt  }
0x64: {  	_ =	shalt  }
0x65: {  	_ =	shalt  }
0x66: {  	_ =	shalt  }
0x67: {  	_ =	shalt  }
0x68: {  	_ =	shalt  }
0x69: {  	_ =	shalt  }
0x6a: {  	_ =	shalt  }
0x6b: {  	_ =	shalt  }
0x6c: {  	_ =	shalt  }
0x6d: {  	_ =	shalt  }
0x6e: {  	_ =	shalt  }
0x6f: {  	_ =	shalt  }
0x70: {  	_ =	shalt  }
0x71: {  	_ =	shalt  }
0x72: {  	_ =	shalt  }
0x73: {  	_ =	shalt  }
0x74: {  	_ =	shalt  }
0x75: {  	_ =	shalt  }
0x76: {  	_ =	shalt  }
0x77: {  	_ =	shalt  }
0x78: {  	_ =	shalt  }
0x79: {  	_ =	shalt  }
0x7a: {  	_ =	shalt  }
0x7b: {  	_ =	shalt  }
0x7c: {  	_ =	shalt  }
0x7d: {  	_ =	shalt  }
0x7e: {  	_ =	shalt  }
0x7f: {  	_ =	shalt  }
0x80: {  	_ =	shalt  }
0x81: {  	_ =	shalt  }
0x82: {  	_ =	shalt  }
0x83: {  	_ =	shalt  }
0x84: {  	_ =	shalt  }
0x85: {  	_ =	shalt  }
0x86: {  	_ =	shalt  }
0x87: {  	_ =	shalt  }
.Lfunc_end0:
.L_simem_size_0:
called_computation_lowered:
.L_overlay_start_0:
0x88: {  	s2 =	sld [smem:$0x3FD9]  }
0x89: {  	s3 =	sld [smem:$0x3FFE];
	_ =	sdelay $0x1  }
0x8a: {  	s1 =	srdreg.scid  }
0x8b: {  	s0 =	sand.u32 $0x1, s1  }
0x8c: {  	s17 =	sshll.u32 s0, $0xA;
	s2 =	sadd.s32 s3, s2  }
0x8d: {  	s2 =	sadd.s32 s2, s17  }
0x8e: {  	[smem:$0x3FC0] =	sst s2  }
0x8f: {  	_ = 	snop  }
0x90: {  	s2 =	sld [smem:$0x3FD0];
	(tm) =	ssettm $0x1  }
0x91: {  	s18 =	sld [smem:$0x3FFB];
	_ =	sdelay $0x3  }
0x92: {  	_ =	strace s18  }
0x93: {  	s3 =	sld [smem:$0x3FFC];
	_ =	sdelay $0x3  }
0x94: {  	_ =	strace s3  }
0x95: {  	s3 =	sld [smem:$0x3FFD];
	_ =	sdelay $0x3  }
0x96: {  	_ =	strace s3  }
0x97: {  	_ =	strace $0x8FFFFFFF  }
0x98: {  	s19 =	sld [smem:$0x3FDB];
	_ =	sdelay $0x1  }
0x99: {  	s4 =	simm.s32 $_scs_section_size  }
0x9a: {  	s5 =	simm.s32 $_size__tile_overlayer_lowered;
	s6 =	simm.s32 $_tile_overlayer_lowered  }
0x9b: {  	s22 =	simm.s32 $0x1BFF;
	s21 =	sshll.u32 s6, $0x1;
	s3 =	sadd.s32 s4, s19  }
0x9c: {  	s7 =	simm.s32 $0x0;
	s20 =	sshll.u32 s5, $0x1;
	s5 =	sadd.s32 s21, s3  }
0x9d: {  	[timem:s7], [sflag:s22] =	dma.local [hbm:s5], s20  }
0x9e: {  	_ =	swait.ge [sflag:s22], s20  }
0x9f: {  	s4 =	ssub.s32 $0x0, s20;
	[sflag:s22] =	ssyncset.done $0x0  }
0xa0: {  	[sflag:s22] =	ssyncadd.s32 s4;
	_ =	sdelay $0x1  }
0xa1: {  	s23 =	simm.s32 $0x1B8B  }
0xa2: {  	_ =	swait.ge [sflag:s23], $0x1  }
0xa3: {  	[sflag:s23] =	ssyncset.done $0x0  }
0xa4: {  	s25 =	simm.s32 $0x1B8E;
	s24 =	sld [smem:$0x3FFE];
	[sflag:s23] =	ssyncadd.s32 $0xFFFFFFFF  }
0xa5: {  	s26 =	simm.s32 $execute0_lowered;
	[smem:$0x3FD2] =	sst s25  }
0xa6: {  	s5 =	sshll.u32 s26, $0x1;
	_ =	strace $0x80000046;
	[dreg:$0x1] =	wrdreg $0xFFFFFFFF  }
0xa7: {  	s28 =	simm.s32 $_size_execute0_lowered;
	s3 =	sadd.s32 s3, s5;
	[dreg:$0x0] =	wrdreg $0x0  }
0xa8: {  	s5 =	sshll.u32 s28, $0x1;
	[dreg:$0x2] =	wrdreg s3  }
0xa9: {  	[dreg:$0x3] =	wrdreg s5  }
0xaa: {  	[dreg:$0x4] =	wrdreg $0xC0  }
0xab: {  	_ =	task [dreg:s7], $0x5FFFF  }
0xac: {  	[dreg:$0x1] =	wrdreg $0xFFFFFFFF  }
0xad: {  	[dreg:$0x0] =	wrdreg $0x60  }
0xae: {  	[dreg:$0x2] =	wrdreg s24  }
0xaf: {  	[dreg:$0x3] =	wrdreg s2  }
0xb0: {  	[dreg:$0x4] =	wrdreg $0x41000  }
0xb1: {  	[dreg:$0x5] =	wrdreg $0x9  }
0xb2: {  	_ =	task.clear_ibuf [dreg:s7], $0x6FFFF;
	_ =	strace $0x90000046  }
0xb3: {  	s29 =	simm.s32 $0x9;
	_ =	strace $0x80000048  }
0xb4: {  	_ =	swait.ge [sflag:s29], $0x1  }
0xb5: {  	[sflag:s29] =	ssyncadd.s32 $0xFFFFFFFF  }
0xb6: {  	_ =	strace $0x90000048  }
0xb7: {  	_ =	sfence  }
0xb8: {  	s30 =	sld [smem:$0x0];
	_ =	sdelay $0x2  }
0xb9: {  	s31 =	sshll.u32 s1, $0xD;
	s1 =	sshrl.u32 s1, $0x2  }
0xba: {  	s3 =	sand.u32 $0x4000, s31;
	s1 =	sadd.s32 s1, s30  }
0xbb: {  	s0 =	sor.u32 s3, s0;
	s1 =	sshll.u32 s1, $0x11  }
0xbc: {  	s0 =	sor.u32 s1, s0  }
0xbd: {  	s0 =	sadd.s32 $0x8F2B, s0  }
0xbe: {  	[sflag:s0] =	ssyncadd.remote.s32 $0x1  }
0xbf: {  	_ =	sfence.sel $0xFFFF  }
0xc0: {  	[dreg:$0x0] =	wrdreg $0xFFFFFFFF;
	(pc) =	sbr.abs _section_cstart, $3  }
0xc1: {  	[dreg:$0x1] =	wrdreg $0xFFFFFFFF  }
0xc2: {  	_ =	task.clear_ibuf [dreg:s7], $0x2FFFF;
	_ =	strace $0x9FFFFFFF  }
0xc3: {  	(tm) =	ssettm $0x7FFFFFFF  }
tec
execute0_lowered:
.L_overlay_start_1:
0x0: {  	(tag) =	ssettag $0x1  }
0x1: {  	s7 =	rddreg [dreg:$0x0]  }
0x2: {  	s1 =	srdreg.scid;
	s2 =	rddreg [dreg:$0x1]  }
0x3: {  	s0 =	stileid.u32;
	s3 =	rddreg [dreg:$0x2];
	s4 =	simm.s32 $0x0  }
0x4: {  	s25 =	simm.s32 $0x2;
	s26 =	simm.s32 $0x0;
	s5 =	smul.u32 $0x4F00, s0  }
0x5: {  	s10 =	sand.u32 $0x1, s1;
	s1 =	rddreg [dreg:$0x3];
	s9 =	smul.u32 $0x50000, s0  }
0x6: {  	[smem:$0x7FF] =	sst s4;
	s12 =	smul.u32 $0x14000, s0;
	s17 =	sadd.s32 $0x34000, s7  }
0x7: {  	s29 =	sshll.u32 s0, $0x1;
	s6 =	smul.u32 $0x2780, s10;
	_ =	strace $0x80000047  }
0x8: {  	s8 =	ssub.s32 $0x2, s10;
	s30 =	sor.u32 s10, s29;
	s21 =	smul.u32 $0x140000, s10  }
0x9: {  	s11 =	sshrl.u32 s8, $0x1;
	s31 =	sshrl.u32 s9, $0x2;
	s13 =	sadd.s32 $0x4000, s12  }
0xa: {  	s15 =	sadd.s32 $0x8000, s12;
	s16 =	sadd.s32 $0xC000, s12;
	s22 =	sadd.s32 $0x10000, s12  }
0xb: {  	s14 =	smul.u32 $0x2780, s30;
	s20 =	sadd.s32 s6, s5;
	s5 =	sadd.s32 $0xB800, s7  }
0xc: {  	s18 =	ssub.s32 s8, s11;
	s8 =	sadd.s32 s13, s3;
	s9 =	sadd.s32 s15, s3  }
0xd: {  	s10 =	sadd.s32 s16, s3;
	s11 =	sadd.s32 s22, s3;
	s12 =	sadd.s32 s12, s21  }
0xe: {  	s13 =	sadd.s32 s21, s13;
	s15 =	sadd.s32 s21, s15;
	s16 =	sadd.s32 s21, s16  }
0xf: {  	s21 =	sadd.s32 s21, s22;
	s22 =	simm.s32 $0x3;
	s6 =	sshrl.u32 s20, $0x3  }
0x10: {  	s14 =	sshrl.u32 s14, $0x3;
	s23 =	sshrl.u32 s12, $0x3;
	s24 =	sshrl.u32 s13, $0x3  }
0x11: {  	s15 =	sshrl.u32 s15, $0x3;
	s16 =	sshrl.u32 s16, $0x3;
	s21 =	sshrl.u32 s21, $0x3  }
0x12: {  	s18 =	smax.u32 s18, $0x1;
	s20 =	sadd.s32 $0x80, s20;
	s19 =	sadd.s32 s6, s7  }
0x13: {  	s6 =	sadd.s32 $0x33800, s7;
	s7 =	sadd.s32 s31, s3;
	s12 =	sadd.s32 s2, s14  }
0x14: {  	s13 =	sadd.s32 s17, s23;
	s14 =	sadd.s32 s17, s24;
	s15 =	sadd.s32 s17, s15  }
0x15: {  	s16 =	sadd.s32 s17, s16;
	s17 =	sadd.s32 s17, s21;
	s21 =	simm.s32 $0x100  }
0x16: {  	s23 =	simm.s32 $0x80;
	s24 =	simm.s32 $0x1;
	s19 =	sadd.s32 $0x1A00, s19  }
.LBB2_1:
0x17: {  	[tilespmem:s21], [sflag:$0x3] =	stream.linear.gather [hbm4b:s6+s4], $0x4000, $0x38;
	[tilespmem:$0x18100] =	vst v63  }
0x18: {  	_ =	swait.ge [sflag:s22], $0x4000  }
0x19: {  	[sflag:s22] =	ssyncset.done $0x0  }
0x1a: {  	[sflag:s22] =	ssyncadd.s32 $0xFFFFC000  }
0x1b: {  	[spmem:s7] =	stream.linear.scatter [tilespmem:s21], [sflag:$0x3], $0x4000, $0x38;
	[tilespmem:$0x18100] =	vst v63  }
0x1c: {  	_ =	swait.ge [sflag:s22], $0x4000  }
0x1d: {  	[sflag:s22] =	ssyncset.done $0x0  }
0x1e: {  	[sflag:s22] =	ssyncadd.s32 $0xFFFFC000  }
0x1f: {  	[spmem:s8] =	stream.linear.scatter [tilespmem:s21], [sflag:$0x3], $0x4000, $0x38;
	[tilespmem:$0x18100] =	vst v63  }
0x20: {  	_ =	swait.ge [sflag:s22], $0x4000  }
0x21: {  	[sflag:s22] =	ssyncset.done $0x0  }
0x22: {  	[sflag:s22] =	ssyncadd.s32 $0xFFFFC000  }
0x23: {  	[spmem:s9] =	stream.linear.scatter [tilespmem:s21], [sflag:$0x3], $0x4000, $0x38;
	[tilespmem:$0x18100] =	vst v63  }
0x24: {  	_ =	swait.ge [sflag:s22], $0x4000  }
0x25: {  	[sflag:s22] =	ssyncset.done $0x0  }
0x26: {  	[sflag:s22] =	ssyncadd.s32 $0xFFFFC000  }
0x27: {  	[spmem:s10] =	stream.linear.scatter [tilespmem:s21], [sflag:$0x3], $0x4000, $0x38;
	[tilespmem:$0x18100] =	vst v63  }
0x28: {  	_ =	swait.ge [sflag:s22], $0x4000  }
0x29: {  	[sflag:s22] =	ssyncset.done $0x0  }
0x2a: {  	[sflag:s22] =	ssyncadd.s32 $0xFFFFC000  }
0x2b: {  	[spmem:s11] =	stream.linear.scatter [tilespmem:s21], [sflag:$0x3], $0x4000, $0x38;
	[tilespmem:$0x18100] =	vst v63  }
0x2c: {  	_ =	swait.ge [sflag:s22], $0x4000  }
0x2d: {  	[sflag:s22] =	ssyncset.done $0x0  }
0x2e: {  	[sflag:s22] =	ssyncadd.s32 $0xFFFFC000  }
0x2f: {  	[bflag:$0x0] =	sbarrier.arrive $0xFFFF  }
0x30: {  	[tilespmem:s4], [sflag:$0x3] =	stream.linear.gather [hbm4b:s12+s4], $0x80, $0x38;
	[tilespmem:$0x18100] =	vst v63  }
0x31: {  	_ =	swait.ge [sflag:s22], $0x80  }
0x32: {  	[sflag:s22] =	ssyncset.done $0x0  }
0x33: {  	[sflag:s22] =	ssyncadd.s32 $0xFFFFFF80  }
0x34: {  	[tilespmem:s21], [sflag:$0x1] =	stream.indirect.gather [hbm4b:s5+s23], $0x80, s4, s23, $0xb8;
	[tilespmem:$0x18100] =	vst v63  }
0x35: {  	s28 =	sadd.s32 $0x0, s19  }
0x36: {  	[tilespmem:s23], [sflag:$0x3] =	stream.linear.gather [hbm4b:s28+s4], $0x80, $0x38;
	[tilespmem:$0x18100] =	vst v63  }
0x37: {  	_ =	swait.ge [sflag:s22], $0x80  }
0x38: {  	[sflag:s22] =	ssyncset.done $0x0  }
0x39: {  	[sflag:s22] =	ssyncadd.s32 $0xFFFFFF80  }
0x3a: {  	_ =	swait.ge [sflag:s24], $0x4000  }
0x3b: {  	[sflag:s24] =	ssyncset.done $0x0  }
0x3c: {  	s28 =	sshrl.u32 s20, $0x3;
	[sflag:s24] =	ssyncadd.s32 $0xFFFFC000  }
0x3d: {  	[spmem:s3] =	stream.indirect.scatter.add.f32 [tilespmem:s21], [sflag:$0x2], $0x80, s23, s23, $0xb8;
	[tilespmem:$0x18100] =	vst v63  }
0x3e: {  	s28 =	sadd.s32 s2, s28  }
0x3f: {  	[tilespmem:s4], [sflag:$0x3] =	stream.linear.gather [hbm4b:s28+s4], $0x80, $0x38;
	[tilespmem:$0x18100] =	vst v63  }
0x40: {  	_ =	swait.ge [sflag:s22], $0x80  }
0x41: {  	[sflag:s22] =	ssyncset.done $0x0  }
0x42: {  	[sflag:s22] =	ssyncadd.s32 $0xFFFFFF80  }
0x43: {  	_ =	swait.ge [sflag:s25], $0x4000  }
0x44: {  	s29 =	smov.u32 s20;
	s28 =	simm.s32 $0x10;
	[sflag:s25] =	ssyncset.done $0x0  }
.LBB2_2:
0x45: {  	p0 =	sne.s32 s28, $0x4E0;
	[sflag:s25] =	ssyncadd.s32 $0xFFFFC000;
	s29 =	sadd.s32 $0x80, s29  }
0x46: {  	[tilespmem:s21], [sflag:$0x1] =	stream.indirect.gather [hbm4b:s5+s23], $0x80, s4, s23, $0xb8;
	[tilespmem:$0x18100] =	vst v63  }
0x47: {  	s30 =	sadd.s32 s28, s19;
	s28 =	sadd.s32 $0x10, s28  }
0x48: {  	[tilespmem:s23], [sflag:$0x3] =	stream.linear.gather [hbm4b:s30+s4], $0x80, $0x38;
	[tilespmem:$0x18100] =	vst v63  }
0x49: {  	_ =	swait.ge [sflag:s22], $0x80  }
0x4a: {  	[sflag:s22] =	ssyncset.done $0x0  }
0x4b: {  	[sflag:s22] =	ssyncadd.s32 $0xFFFFFF80  }
0x4c: {  	_ =	swait.ge [sflag:s24], $0x4000  }
0x4d: {  	[sflag:s24] =	ssyncset.done $0x0  }
0x4e: {  	s30 =	sshrl.u32 s29, $0x3;
	[sflag:s24] =	ssyncadd.s32 $0xFFFFC000  }
0x4f: {  	[spmem:s3] =	stream.indirect.scatter.add.f32 [tilespmem:s21], [sflag:$0x2], $0x80, s23, s23, $0xb8;
	[tilespmem:$0x18100] =	vst v63  }
0x50: {  	s30 =	sadd.s32 s2, s30  }
0x51: {  	[tilespmem:s4], [sflag:$0x3] =	stream.linear.gather [hbm4b:s30+s4], $0x80, $0x38;
	[tilespmem:$0x18100] =	vst v63  }
.Ltmp0:
0x52: {  	_ =	swait.ge [sflag:s22], $0x80;
	(pc) =	sbr.rel @p0 .LBB2_2-.Ltmp0, $4  }
0x53: {  	[sflag:s22] =	ssyncset.done $0x0  }
0x54: {  	[sflag:s22] =	ssyncadd.s32 $0xFFFFFF80  }
0x55: {  	_ =	swait.ge [sflag:s25], $0x4000  }
0x56: {  	[sflag:s25] =	ssyncset.done $0x0  }
0x57: {  	[sflag:s25] =	ssyncadd.s32 $0xFFFFC000  }
0x58: {  	[bflag:$0x0] =	sbarrier.arrive $0xFFFF  }
0x59: {  	[tilespmem:s21], [sflag:$0x3] =	stream.linear.gather [spmem:s7], $0x4000, $0x38;
	[tilespmem:$0x18100] =	vst v63  }
0x5a: {  	_ =	swait.ge [sflag:s22], $0x4000  }
0x5b: {  	[sflag:s22] =	ssyncset.done $0x0  }
0x5c: {  	[sflag:s22] =	ssyncadd.s32 $0xFFFFC000  }
0x5d: {  	[hbm4b:s13+s4] =	stream.linear.scatter [tilespmem:s21], [sflag:$0x3], $0x4000, $0x38;
	[tilespmem:$0x18100] =	vst v63  }
0x5e: {  	_ =	swait.ge [sflag:s22], $0x4000  }
0x5f: {  	[sflag:s22] =	ssyncset.done $0x0  }
0x60: {  	[sflag:s22] =	ssyncadd.s32 $0xFFFFC000  }
0x61: {  	[tilespmem:s21], [sflag:$0x3] =	stream.linear.gather [spmem:s8], $0x4000, $0x38;
	[tilespmem:$0x18100] =	vst v63  }
0x62: {  	_ =	swait.ge [sflag:s22], $0x4000  }
0x63: {  	[sflag:s22] =	ssyncset.done $0x0  }
0x64: {  	[sflag:s22] =	ssyncadd.s32 $0xFFFFC000  }
0x65: {  	[hbm4b:s14+s4] =	stream.linear.scatter [tilespmem:s21], [sflag:$0x3], $0x4000, $0x38;
	[tilespmem:$0x18100] =	vst v63  }
0x66: {  	_ =	swait.ge [sflag:s22], $0x4000  }
0x67: {  	[sflag:s22] =	ssyncset.done $0x0  }
0x68: {  	[sflag:s22] =	ssyncadd.s32 $0xFFFFC000  }
0x69: {  	[tilespmem:s21], [sflag:$0x3] =	stream.linear.gather [spmem:s9], $0x4000, $0x38;
	[tilespmem:$0x18100] =	vst v63  }
0x6a: {  	_ =	swait.ge [sflag:s22], $0x4000  }
0x6b: {  	[sflag:s22] =	ssyncset.done $0x0  }
0x6c: {  	[sflag:s22] =	ssyncadd.s32 $0xFFFFC000  }
0x6d: {  	[hbm4b:s15+s4] =	stream.linear.scatter [tilespmem:s21], [sflag:$0x3], $0x4000, $0x38;
	[tilespmem:$0x18100] =	vst v63  }
0x6e: {  	_ =	swait.ge [sflag:s22], $0x4000  }
0x6f: {  	[sflag:s22] =	ssyncset.done $0x0  }
0x70: {  	[sflag:s22] =	ssyncadd.s32 $0xFFFFC000  }
0x71: {  	[tilespmem:s21], [sflag:$0x3] =	stream.linear.gather [spmem:s10], $0x4000, $0x38;
	[tilespmem:$0x18100] =	vst v63  }
0x72: {  	_ =	swait.ge [sflag:s22], $0x4000  }
0x73: {  	[sflag:s22] =	ssyncset.done $0x0  }
0x74: {  	[sflag:s22] =	ssyncadd.s32 $0xFFFFC000  }
0x75: {  	[hbm4b:s16+s4] =	stream.linear.scatter [tilespmem:s21], [sflag:$0x3], $0x4000, $0x38;
	[tilespmem:$0x18100] =	vst v63  }
0x76: {  	_ =	swait.ge [sflag:s22], $0x4000  }
0x77: {  	[sflag:s22] =	ssyncset.done $0x0  }
0x78: {  	[sflag:s22] =	ssyncadd.s32 $0xFFFFC000  }
0x79: {  	[tilespmem:s21], [sflag:$0x3] =	stream.linear.gather [spmem:s11], $0x4000, $0x38;
	[tilespmem:$0x18100] =	vst v63  }
0x7a: {  	s26 =	sadd.s32 $0x1, s26;
	_ =	swait.ge [sflag:s22], $0x4000  }
0x7b: {  	p0 =	sne.s32 s26, s18;
	[sflag:s22] =	ssyncset.done $0x0  }
.Ltmp1:
0x7c: {  	[sflag:s22] =	ssyncadd.s32 $0xFFFFC000;
	(pc) =	sbr.rel @p0 .LBB2_1-.Ltmp1, $4  }
0x7d: {  	[hbm4b:s17+s4] =	stream.linear.scatter [tilespmem:s21], [sflag:$0x3], $0x4000, $0x38;
	[tilespmem:$0x18100] =	vst v63  }
0x7e: {  	_ =	swait.ge [sflag:s22], $0x4000  }
0x7f: {  	[sflag:s22] =	ssyncset.done $0x0  }
0x80: {  	[sflag:s22] =	ssyncadd.s32 $0xFFFFC000  }
0x81: {  	_ =	sfence.sel $0x180000  }
0x82: {  	[bflag:$0x0] =	sbarrier.arrive $0xFFFF  }
0x83: {  	p0 =	sne.s32 s0, $0x0;
	_ =	strace $0x90000047  }
0x84: {  	s0 =	sadd.s32 @!p0 $0x100000, s1;
	[bflag:$0x2] =	sbarrier.arrive $0xFFFF  }
0x85: {  	[sflag:s0] =	ssyncadd.tile.s32 @!p0 $0x1;
	_ =	shalt  }
.Lfunc_end2:
_tile_overlayer_lowered:
.L_overlay_start_2:
0x86: {  	(tag) =	ssettag $0x2  }
0x87: {  	s0 =	rddreg [dreg:$0x0];
	s2 =	stileid.u32  }
0x88: {  	s1 =	rddreg [dreg:$0x1];
	p0 =	sne.s32 s2, $0x0  }
0x89: {  	s3 =	rddreg [dreg:$0x2];
	[bflag:$0x3] =	sbarrier.arrive $0xFFFF;
	s2 =	simm.s32 @!p0 $0x1C03  }
0x8a: {  	[timem:s3], [sflag:s2] =	dma.local @!p0 [hbm:s0], s1  }
0x8b: {  	s0 =	simm.s32 @!p0 $0x3  }
0x8c: {  	_ =	swait.ge @!p0 [sflag:s0], s1  }
0x8d: {  	s1 =	ssub.s32 @!p0 $0x0, s1;
	[sflag:s0] =	ssyncset.done @!p0 $0x0  }
0x8e: {  	[sflag:s0] =	ssyncadd.s32 @!p0 s1  }
0x8f: {  	[bflag:$0x3] =	sbarrier.arrive $0xFFFF  }
0x90: {  	_ =	shalt  }

</sc_bundles>
